<compile_context>
chip_gen: v7x
topology: tpu7x:2x2x1
jax: 0.10.2.dev20260603
libtpu: 0.0.44.dev20260713+nightly
codegen_flags: <defaults>
</compile_context>

<pallas_src>
import functools

import jax
import jax.numpy as jnp
from jax import lax
from jax.experimental import pallas as pl
from jax.experimental.pallas import tpu as pltpu
from jax.experimental.pallas import tpu_sc as plsc

P = 128
O = 16
NC, NS = 2, 16
NW = NC * NS
IDXW = 128


def _proj_body(e0_ref, e1_ref, w_ref, b_ref, t0_ref, t1_ref):
    dn = (((1,), (1,)), ((), ()))
    vr = e0_ref.shape[0]
    for u in range(8):
        d0 = lax.dot_general(
            e0_ref[:, u, :], w_ref[:, :P], dimension_numbers=dn,
            preferred_element_type=jnp.float32,
            precision=lax.Precision.HIGHEST,
        ) + b_ref[...]
        t0_ref[:vr, pl.ds(u * O, O)] = d0
        t1_ref[:vr, pl.ds(u * O, O)] = lax.dot_general(
            e1_ref[:, u, :], w_ref[:, P:], dimension_numbers=dn,
            preferred_element_type=jnp.float32,
            precision=lax.Precision.HIGHEST,
        )


def _project_tables(E0r, E1r, W, b2d):
    return pl.pallas_call(
        _proj_body,
        out_shape=[
            jax.ShapeDtypeStruct((32, 128), jnp.float32),
            jax.ShapeDtypeStruct((32, 128), jnp.float32),
        ],
    )(E0r, E1r, W, b2d)


def _untile_body(r_ref, out_ref):
    chunks = [r_ref[:, pl.ds(16 * u, 16)] for u in range(8)]
    stacked = jnp.stack(chunks, axis=1)
    out_ref[...] = stacked.reshape(out_ref.shape)


def _untile(r, B):
    grid = 8
    rows = r.shape[0] // grid
    return pl.pallas_call(
        _untile_body,
        grid=(grid,),
        in_specs=[pl.BlockSpec((rows, 128), lambda i: (i, 0))],
        out_specs=pl.BlockSpec((rows * 8, O), lambda i: (i, 0)),
        out_shape=jax.ShapeDtypeStruct((B, O), jnp.float32),
    )(r)


@functools.lru_cache(maxsize=None)
def _make_sc_gather_add(B):
    bpw = B // NW
    nch = bpw // IDXW
    mesh = plsc.VectorSubcoreMesh(
        core_axis_name="c", subcore_axis_name="s",
        num_cores=NC, num_subcores=NS,
    )

    @functools.partial(
        pl.kernel,
        mesh=mesh,
        out_type=jax.ShapeDtypeStruct((O // 8 * B // IDXW * 8, IDXW), jnp.float32),
        scratch_types=[
            pltpu.VMEM((2 * nch, IDXW), jnp.int32),
            pltpu.VMEM((bpw, O), jnp.float32),
            pltpu.VMEM((bpw, O), jnp.float32),
            pltpu.VMEM((O // 8 * nch * 8, IDXW), jnp.float32),
            pltpu.SemaphoreType.DMA,
        ],
        compiler_params=pltpu.CompilerParams(
            use_tc_tiling_on_sc=False, needs_layout_passes=False),
    )
    def sc_kernel(xv_hbm, t0_hbm, t1_hbm, out_hbm,
                  ix_v, r0_v, r1_v, of_v, sem):
        wid = lax.axis_index("s") * NC + lax.axis_index("c")
        pltpu.sync_copy(xv_hbm.at[pl.ds(wid * 2 * nch, 2 * nch)], ix_v)
        copies = []
        for j in range(nch):
            dst = pl.ds(j * IDXW, IDXW)
            copies.append(pltpu.async_copy(
                t0_hbm.at[ix_v.at[2 * j]], r0_v.at[dst], sem))
            copies.append(pltpu.async_copy(
                t1_hbm.at[ix_v.at[2 * j + 1]], r1_v.at[dst], sem))

        for c in copies:
            c.wait()

        @plsc.parallel_loop(0, bpw, 1, unroll=8)
        def add_row(i):
            r0_v[i] = r0_v[i] + r1_v[i]

        lanes = lax.iota(jnp.int32, 16)
        jfull = [jnp.zeros((16,), jnp.int32) + j for j in range(O)]

        @plsc.parallel_loop(0, bpw // 16, 1, unroll=2)
        def asm_blk(t):
            rows = lanes + t * 16
            rc, w = t // 8, t % 8
            for j in range(O):
                g = plsc.load_gather(r0_v, [rows, jfull[j]])
                row = (j // 8) * (nch * 8) + (j % 8) + rc * 8
                of_v[row, pl.ds(w * 16, 16)] = g

        blk = nch * 8
        for g in range(O // 8):
            pltpu.sync_copy(of_v.at[pl.ds(g * blk, blk)],
                            out_hbm.at[pl.ds((g * NW + wid) * blk, blk)])

    return sc_kernel


def kernel(x, E0, E1, W, b):
    B = x.shape[0]
    assert B % (NW * IDXW) == 0
    t0p, t1p = _project_tables(
        E0.reshape(25, 8, P), E1.reshape(25, 8, P), W, b.reshape(1, O))
    t0 = t0p.reshape(256, O)
    t1 = t1p.reshape(256, O)
    xi = x.astype(jnp.int32)
    xv = xi.reshape(B // IDXW, IDXW, 2).transpose(0, 2, 1).reshape(
        2 * B // IDXW, IDXW)
    r2 = _make_sc_gather_add(B)(xv, t0, t1)
    r4 = r2.reshape(O // 8, B // IDXW, 8, IDXW)
    return r4.transpose(1, 3, 0, 2).reshape(B, O)

# --- scband reference (transcript-rebuilt; emitter-appended) ---
"""Pipeline reference for scband-model-30502857736214 (READ-ONLY COPY).

The authoritative reference and input builder live on the scoring server;
editing this copy changes nothing except your own understanding.
"""

import jax, jax.numpy as jnp
import numpy as np

P = 128
O = 16
VOCAB = 200
BATCH = 16384


def setup_inputs(seed: int = 0) -> dict:
    key = jax.random.key(seed)
    k_x, k_e0, k_e1, k_w, k_b = jax.random.split(key, 5)
    x = jax.random.randint(k_x, (BATCH, 2), 0, VOCAB, dtype=jnp.int64) if jax.config.read('jax_enable_x64') else jax.random.randint(k_x, (BATCH, 2), 0, VOCAB, dtype=jnp.int32)
    E0 = jax.random.normal(k_e0, (VOCAB, P), dtype=jnp.float32)
    E1 = jax.random.normal(k_e1, (VOCAB, P), dtype=jnp.float32)
    # torch.nn.Linear(2p, o): weight [o, 2p], bias [o]
    bound = 1.0 / np.sqrt(2 * P)
    W = jax.random.uniform(k_w, (O, 2 * P), dtype=jnp.float32, minval=-bound, maxval=bound)
    b = jax.random.uniform(k_b, (O,), dtype=jnp.float32, minval=-bound, maxval=bound)
    return {"x": x, "E0": E0, "E1": E1, "W": W, "b": b}


def reference(x, E0, E1, W, b):
    # x: int[N, 2]; gather each column from its own embedding table, concat, linear
    e0 = jnp.take(E0, x[:, 0], axis=0)
    e1 = jnp.take(E1, x[:, 1], axis=0)
    h = jnp.concatenate([e0, e1], axis=-1)  # [N, 2p]
    return h @ W.T + b  # [N, o]

if __name__ == "__main__":
    import jax
    _d = setup_inputs()
    print(jax.jit(kernel)(*tuple(_d.values())))

</pallas_src>

<mosaic_0001>
#map = affine_map<(d0, d1) -> (0, 0)>
module attributes {stable_mosaic.version = 14 : i64} {
  func.func @sc_kernel(%arg0: i32, %arg1: i32, %arg2: memref<256x128xi32, #tpu.memory_space<hbm>>, %arg3: memref<256x16xf32, #tpu.memory_space<hbm>>, %arg4: memref<256x16xf32, #tpu.memory_space<hbm>>, %arg5: memref<2048x128xf32, #tpu.memory_space<hbm>>, %arg6: memref<8x128xi32, #tpu.memory_space<vmem>>, %arg7: memref<512x16xf32, #tpu.memory_space<vmem>>, %arg8: memref<512x16xf32, #tpu.memory_space<vmem>>, %arg9: memref<64x128xf32, #tpu.memory_space<vmem>>, %arg10: memref<!tpu.dma_semaphore, #tpu.memory_space<semaphore_mem>>) attributes {dimension_semantics = [#tpu.dimension_semantics<core_parallel>, #tpu.dimension_semantics<subcore_parallel>], iteration_bounds = array<i64: 2, 16>, scalar_prefetch = 0 : i64, scratch_operands = 5 : i64, tpu.core_type = #tpu.core_type<sc_vector_subcore>, window_params = [{transform_indices = #map}, {transform_indices = #map}, {transform_indices = #map}, {transform_indices = #map}]} {
    %mul3A = arith.constant 2 : i32
    %mul3A_0 = arith.muli %arg1, %mul3A : i32
    %add3A = arith.addi %mul3A_0, %arg0 : i32
    %mul3A_1 = arith.constant 2 : i32
    %mul3A_2 = arith.muli %add3A, %mul3A_1 : i32
    %mul3A_3 = arith.constant 4 : i32
    %mul3A_4 = arith.muli %mul3A_2, %mul3A_3 : i32
    "tpu.region"() ({
      %run_scoped3A = tpu.sem_alloc : memref<!tpu.dma_semaphore, #tpu.memory_space<semaphore_mem>>
      %dma_start3A_255 = arith.constant 0 : i32
      %dma_start3A_256 = tpu.memref_slice %arg2[%mul3A_4, %dma_start3A_255] : memref<256x128xi32, #tpu.memory_space<hbm>> -> memref<8x128xi32, #tpu.memory_space<hbm>>
      %dma_start3A_257 = arith.constant 0 : i32
      %dma_start3A_258 = tpu.memref_slice %arg2[%mul3A_4, %dma_start3A_257] : memref<256x128xi32, #tpu.memory_space<hbm>> -> memref<8x128xi32, #tpu.memory_space<hbm>>
      tpu.enqueue_dma source(%dma_start3A_258 : memref<8x128xi32, #tpu.memory_space<hbm>>) target(%arg6 : memref<8x128xi32, #tpu.memory_space<vmem>>) target_semaphore(%run_scoped3A : memref<!tpu.dma_semaphore, #tpu.memory_space<semaphore_mem>>)
      %dma_wait3A_259 = arith.constant 0 : i32
      %dma_wait3A_260 = tpu.memref_slice %arg2[%mul3A_4, %dma_wait3A_259] : memref<256x128xi32, #tpu.memory_space<hbm>> -> memref<8x128xi32, #tpu.memory_space<hbm>>
      %dma_wait3A_261 = arith.constant 0 : i32
      %dma_wait3A_262 = tpu.memref_slice %arg2[%mul3A_4, %dma_wait3A_261] : memref<256x128xi32, #tpu.memory_space<hbm>> -> memref<8x128xi32, #tpu.memory_space<hbm>>
      tpu.wait_dma2 semaphore(%run_scoped3A : memref<!tpu.dma_semaphore, #tpu.memory_space<semaphore_mem>>) src(%dma_wait3A_262 : memref<8x128xi32, #tpu.memory_space<hbm>>) dst(%arg6 : memref<8x128xi32, #tpu.memory_space<vmem>>)
      tpu.yield
    }) : () -> ()
    %dma_start3A = arith.constant 0 : i32
    %dma_start3A_5 = arith.constant 0 : i32
    %dma_start3A_6 = arith.constant 0 : i32
    %dma_start3A_7 = tpu.memref_slice %arg7[%dma_start3A_5, %dma_start3A_6] : memref<512x16xf32, #tpu.memory_space<vmem>> -> memref<128x16xf32, #tpu.memory_space<vmem>>
    %dma_start3A_8 = arith.constant 0 : i32
    %dma_start3A_9 = tpu.memref_slice %arg6[%dma_start3A, %dma_start3A_8] : memref<8x128xi32, #tpu.memory_space<vmem>> -> memref<1x128xi32, #tpu.memory_space<vmem>>
    %dma_start3A_10 = tpu.memref_squeeze %dma_start3A_9 : memref<1x128xi32, #tpu.memory_space<vmem>> -> memref<128xi32, #tpu.memory_space<vmem>>
    %dma_start3A_11 = arith.constant 0 : i32
    %dma_start3A_12 = arith.constant 0 : i32
    %dma_start3A_13 = tpu.memref_slice %arg3[%dma_start3A_11, %dma_start3A_12] : memref<256x16xf32, #tpu.memory_space<hbm>> -> memref<256x16xf32, #tpu.memory_space<hbm>>
    tpu.enqueue_indirect_dma source(%dma_start3A_13 : memref<256x16xf32, #tpu.memory_space<hbm>>) target(%dma_start3A_7 : memref<128x16xf32, #tpu.memory_space<vmem>>) offsets(%dma_start3A_10 : memref<128xi32, #tpu.memory_space<vmem>>) semaphore(%arg10 : memref<!tpu.dma_semaphore, #tpu.memory_space<semaphore_mem>>)
    %dma_start3A_14 = arith.constant 1 : i32
    %dma_start3A_15 = arith.constant 0 : i32
    %dma_start3A_16 = arith.constant 0 : i32
    %dma_start3A_17 = tpu.memref_slice %arg8[%dma_start3A_15, %dma_start3A_16] : memref<512x16xf32, #tpu.memory_space<vmem>> -> memref<128x16xf32, #tpu.memory_space<vmem>>
    %dma_start3A_18 = arith.constant 0 : i32
    %dma_start3A_19 = tpu.memref_slice %arg6[%dma_start3A_14, %dma_start3A_18] : memref<8x128xi32, #tpu.memory_space<vmem>> -> memref<1x128xi32, #tpu.memory_space<vmem>>
    %dma_start3A_20 = tpu.memref_squeeze %dma_start3A_19 : memref<1x128xi32, #tpu.memory_space<vmem>> -> memref<128xi32, #tpu.memory_space<vmem>>
    %dma_start3A_21 = arith.constant 0 : i32
    %dma_start3A_22 = arith.constant 0 : i32
    %dma_start3A_23 = tpu.memref_slice %arg4[%dma_start3A_21, %dma_start3A_22] : memref<256x16xf32, #tpu.memory_space<hbm>> -> memref<256x16xf32, #tpu.memory_space<hbm>>
    tpu.enqueue_indirect_dma source(%dma_start3A_23 : memref<256x16xf32, #tpu.memory_space<hbm>>) target(%dma_start3A_17 : memref<128x16xf32, #tpu.memory_space<vmem>>) offsets(%dma_start3A_20 : memref<128xi32, #tpu.memory_space<vmem>>) semaphore(%arg10 : memref<!tpu.dma_semaphore, #tpu.memory_space<semaphore_mem>>)
    %dma_start3A_24 = arith.constant 2 : i32
    %dma_start3A_25 = arith.constant 128 : i32
    %dma_start3A_26 = arith.constant 0 : i32
    %dma_start3A_27 = tpu.memref_slice %arg7[%dma_start3A_25, %dma_start3A_26] : memref<512x16xf32, #tpu.memory_space<vmem>> -> memref<128x16xf32, #tpu.memory_space<vmem>>
    %dma_start3A_28 = arith.constant 0 : i32
    %dma_start3A_29 = tpu.memref_slice %arg6[%dma_start3A_24, %dma_start3A_28] : memref<8x128xi32, #tpu.memory_space<vmem>> -> memref<1x128xi32, #tpu.memory_space<vmem>>
    %dma_start3A_30 = tpu.memref_squeeze %dma_start3A_29 : memref<1x128xi32, #tpu.memory_space<vmem>> -> memref<128xi32, #tpu.memory_space<vmem>>
    %dma_start3A_31 = arith.constant 0 : i32
    %dma_start3A_32 = arith.constant 0 : i32
    %dma_start3A_33 = tpu.memref_slice %arg3[%dma_start3A_31, %dma_start3A_32] : memref<256x16xf32, #tpu.memory_space<hbm>> -> memref<256x16xf32, #tpu.memory_space<hbm>>
    tpu.enqueue_indirect_dma source(%dma_start3A_33 : memref<256x16xf32, #tpu.memory_space<hbm>>) target(%dma_start3A_27 : memref<128x16xf32, #tpu.memory_space<vmem>>) offsets(%dma_start3A_30 : memref<128xi32, #tpu.memory_space<vmem>>) semaphore(%arg10 : memref<!tpu.dma_semaphore, #tpu.memory_space<semaphore_mem>>)
    %dma_start3A_34 = arith.constant 3 : i32
    %dma_start3A_35 = arith.constant 128 : i32
    %dma_start3A_36 = arith.constant 0 : i32
    %dma_start3A_37 = tpu.memref_slice %arg8[%dma_start3A_35, %dma_start3A_36] : memref<512x16xf32, #tpu.memory_space<vmem>> -> memref<128x16xf32, #tpu.memory_space<vmem>>
    %dma_start3A_38 = arith.constant 0 : i32
    %dma_start3A_39 = tpu.memref_slice %arg6[%dma_start3A_34, %dma_start3A_38] : memref<8x128xi32, #tpu.memory_space<vmem>> -> memref<1x128xi32, #tpu.memory_space<vmem>>
    %dma_start3A_40 = tpu.memref_squeeze %dma_start3A_39 : memref<1x128xi32, #tpu.memory_space<vmem>> -> memref<128xi32, #tpu.memory_space<vmem>>
    %dma_start3A_41 = arith.constant 0 : i32
    %dma_start3A_42 = arith.constant 0 : i32
    %dma_start3A_43 = tpu.memref_slice %arg4[%dma_start3A_41, %dma_start3A_42] : memref<256x16xf32, #tpu.memory_space<hbm>> -> memref<256x16xf32, #tpu.memory_space<hbm>>
    tpu.enqueue_indirect_dma source(%dma_start3A_43 : memref<256x16xf32, #tpu.memory_space<hbm>>) target(%dma_start3A_37 : memref<128x16xf32, #tpu.memory_space<vmem>>) offsets(%dma_start3A_40 : memref<128xi32, #tpu.memory_space<vmem>>) semaphore(%arg10 : memref<!tpu.dma_semaphore, #tpu.memory_space<semaphore_mem>>)
    %dma_start3A_44 = arith.constant 4 : i32
    %dma_start3A_45 = arith.constant 256 : i32
    %dma_start3A_46 = arith.constant 0 : i32
    %dma_start3A_47 = tpu.memref_slice %arg7[%dma_start3A_45, %dma_start3A_46] : memref<512x16xf32, #tpu.memory_space<vmem>> -> memref<128x16xf32, #tpu.memory_space<vmem>>
    %dma_start3A_48 = arith.constant 0 : i32
    %dma_start3A_49 = tpu.memref_slice %arg6[%dma_start3A_44, %dma_start3A_48] : memref<8x128xi32, #tpu.memory_space<vmem>> -> memref<1x128xi32, #tpu.memory_space<vmem>>
    %dma_start3A_50 = tpu.memref_squeeze %dma_start3A_49 : memref<1x128xi32, #tpu.memory_space<vmem>> -> memref<128xi32, #tpu.memory_space<vmem>>
    %dma_start3A_51 = arith.constant 0 : i32
    %dma_start3A_52 = arith.constant 0 : i32
    %dma_start3A_53 = tpu.memref_slice %arg3[%dma_start3A_51, %dma_start3A_52] : memref<256x16xf32, #tpu.memory_space<hbm>> -> memref<256x16xf32, #tpu.memory_space<hbm>>
    tpu.enqueue_indirect_dma source(%dma_start3A_53 : memref<256x16xf32, #tpu.memory_space<hbm>>) target(%dma_start3A_47 : memref<128x16xf32, #tpu.memory_space<vmem>>) offsets(%dma_start3A_50 : memref<128xi32, #tpu.memory_space<vmem>>) semaphore(%arg10 : memref<!tpu.dma_semaphore, #tpu.memory_space<semaphore_mem>>)
    %dma_start3A_54 = arith.constant 5 : i32
    %dma_start3A_55 = arith.constant 256 : i32
    %dma_start3A_56 = arith.constant 0 : i32
    %dma_start3A_57 = tpu.memref_slice %arg8[%dma_start3A_55, %dma_start3A_56] : memref<512x16xf32, #tpu.memory_space<vmem>> -> memref<128x16xf32, #tpu.memory_space<vmem>>
    %dma_start3A_58 = arith.constant 0 : i32
    %dma_start3A_59 = tpu.memref_slice %arg6[%dma_start3A_54, %dma_start3A_58] : memref<8x128xi32, #tpu.memory_space<vmem>> -> memref<1x128xi32, #tpu.memory_space<vmem>>
    %dma_start3A_60 = tpu.memref_squeeze %dma_start3A_59 : memref<1x128xi32, #tpu.memory_space<vmem>> -> memref<128xi32, #tpu.memory_space<vmem>>
    %dma_start3A_61 = arith.constant 0 : i32
    %dma_start3A_62 = arith.constant 0 : i32
    %dma_start3A_63 = tpu.memref_slice %arg4[%dma_start3A_61, %dma_start3A_62] : memref<256x16xf32, #tpu.memory_space<hbm>> -> memref<256x16xf32, #tpu.memory_space<hbm>>
    tpu.enqueue_indirect_dma source(%dma_start3A_63 : memref<256x16xf32, #tpu.memory_space<hbm>>) target(%dma_start3A_57 : memref<128x16xf32, #tpu.memory_space<vmem>>) offsets(%dma_start3A_60 : memref<128xi32, #tpu.memory_space<vmem>>) semaphore(%arg10 : memref<!tpu.dma_semaphore, #tpu.memory_space<semaphore_mem>>)
    %dma_start3A_64 = arith.constant 6 : i32
    %dma_start3A_65 = arith.constant 384 : i32
    %dma_start3A_66 = arith.constant 0 : i32
    %dma_start3A_67 = tpu.memref_slice %arg7[%dma_start3A_65, %dma_start3A_66] : memref<512x16xf32, #tpu.memory_space<vmem>> -> memref<128x16xf32, #tpu.memory_space<vmem>>
    %dma_start3A_68 = arith.constant 0 : i32
    %dma_start3A_69 = tpu.memref_slice %arg6[%dma_start3A_64, %dma_start3A_68] : memref<8x128xi32, #tpu.memory_space<vmem>> -> memref<1x128xi32, #tpu.memory_space<vmem>>
    %dma_start3A_70 = tpu.memref_squeeze %dma_start3A_69 : memref<1x128xi32, #tpu.memory_space<vmem>> -> memref<128xi32, #tpu.memory_space<vmem>>
    %dma_start3A_71 = arith.constant 0 : i32
    %dma_start3A_72 = arith.constant 0 : i32
    %dma_start3A_73 = tpu.memref_slice %arg3[%dma_start3A_71, %dma_start3A_72] : memref<256x16xf32, #tpu.memory_space<hbm>> -> memref<256x16xf32, #tpu.memory_space<hbm>>
    tpu.enqueue_indirect_dma source(%dma_start3A_73 : memref<256x16xf32, #tpu.memory_space<hbm>>) target(%dma_start3A_67 : memref<128x16xf32, #tpu.memory_space<vmem>>) offsets(%dma_start3A_70 : memref<128xi32, #tpu.memory_space<vmem>>) semaphore(%arg10 : memref<!tpu.dma_semaphore, #tpu.memory_space<semaphore_mem>>)
    %dma_start3A_74 = arith.constant 7 : i32
    %dma_start3A_75 = arith.constant 384 : i32
    %dma_start3A_76 = arith.constant 0 : i32
    %dma_start3A_77 = tpu.memref_slice %arg8[%dma_start3A_75, %dma_start3A_76] : memref<512x16xf32, #tpu.memory_space<vmem>> -> memref<128x16xf32, #tpu.memory_space<vmem>>
    %dma_start3A_78 = arith.constant 0 : i32
    %dma_start3A_79 = tpu.memref_slice %arg6[%dma_start3A_74, %dma_start3A_78] : memref<8x128xi32, #tpu.memory_space<vmem>> -> memref<1x128xi32, #tpu.memory_space<vmem>>
    %dma_start3A_80 = tpu.memref_squeeze %dma_start3A_79 : memref<1x128xi32, #tpu.memory_space<vmem>> -> memref<128xi32, #tpu.memory_space<vmem>>
    %dma_start3A_81 = arith.constant 0 : i32
    %dma_start3A_82 = arith.constant 0 : i32
    %dma_start3A_83 = tpu.memref_slice %arg4[%dma_start3A_81, %dma_start3A_82] : memref<256x16xf32, #tpu.memory_space<hbm>> -> memref<256x16xf32, #tpu.memory_space<hbm>>
    tpu.enqueue_indirect_dma source(%dma_start3A_83 : memref<256x16xf32, #tpu.memory_space<hbm>>) target(%dma_start3A_77 : memref<128x16xf32, #tpu.memory_space<vmem>>) offsets(%dma_start3A_80 : memref<128xi32, #tpu.memory_space<vmem>>) semaphore(%arg10 : memref<!tpu.dma_semaphore, #tpu.memory_space<semaphore_mem>>)
    %dma_wait3A = arith.constant 0 : i32
    %dma_wait3A_84 = arith.constant 0 : i32
    %dma_wait3A_85 = arith.constant 0 : i32
    %dma_wait3A_86 = tpu.memref_slice %arg7[%dma_wait3A_84, %dma_wait3A_85] : memref<512x16xf32, #tpu.memory_space<vmem>> -> memref<128x16xf32, #tpu.memory_space<vmem>>
    %dma_wait3A_87 = arith.constant 0 : i32
    %dma_wait3A_88 = tpu.memref_slice %arg6[%dma_wait3A, %dma_wait3A_87] : memref<8x128xi32, #tpu.memory_space<vmem>> -> memref<1x128xi32, #tpu.memory_space<vmem>>
    %dma_wait3A_89 = tpu.memref_squeeze %dma_wait3A_88 : memref<1x128xi32, #tpu.memory_space<vmem>> -> memref<128xi32, #tpu.memory_space<vmem>>
    %dma_wait3A_90 = arith.constant 0 : i32
    %dma_wait3A_91 = arith.constant 0 : i32
    %dma_wait3A_92 = tpu.memref_slice %arg3[%dma_wait3A_90, %dma_wait3A_91] : memref<256x16xf32, #tpu.memory_space<hbm>> -> memref<256x16xf32, #tpu.memory_space<hbm>>
    tpu.wait_indirect_dma semaphore(%arg10 : memref<!tpu.dma_semaphore, #tpu.memory_space<semaphore_mem>>) src(%dma_wait3A_92 : memref<256x16xf32, #tpu.memory_space<hbm>>) dst(%dma_wait3A_86 : memref<128x16xf32, #tpu.memory_space<vmem>>)
    %dma_wait3A_93 = arith.constant 1 : i32
    %dma_wait3A_94 = arith.constant 0 : i32
    %dma_wait3A_95 = arith.constant 0 : i32
    %dma_wait3A_96 = tpu.memref_slice %arg8[%dma_wait3A_94, %dma_wait3A_95] : memref<512x16xf32, #tpu.memory_space<vmem>> -> memref<128x16xf32, #tpu.memory_space<vmem>>
    %dma_wait3A_97 = arith.constant 0 : i32
    %dma_wait3A_98 = tpu.memref_slice %arg6[%dma_wait3A_93, %dma_wait3A_97] : memref<8x128xi32, #tpu.memory_space<vmem>> -> memref<1x128xi32, #tpu.memory_space<vmem>>
    %dma_wait3A_99 = tpu.memref_squeeze %dma_wait3A_98 : memref<1x128xi32, #tpu.memory_space<vmem>> -> memref<128xi32, #tpu.memory_space<vmem>>
    %dma_wait3A_100 = arith.constant 0 : i32
    %dma_wait3A_101 = arith.constant 0 : i32
    %dma_wait3A_102 = tpu.memref_slice %arg4[%dma_wait3A_100, %dma_wait3A_101] : memref<256x16xf32, #tpu.memory_space<hbm>> -> memref<256x16xf32, #tpu.memory_space<hbm>>
    tpu.wait_indirect_dma semaphore(%arg10 : memref<!tpu.dma_semaphore, #tpu.memory_space<semaphore_mem>>) src(%dma_wait3A_102 : memref<256x16xf32, #tpu.memory_space<hbm>>) dst(%dma_wait3A_96 : memref<128x16xf32, #tpu.memory_space<vmem>>)
    %dma_wait3A_103 = arith.constant 2 : i32
    %dma_wait3A_104 = arith.constant 128 : i32
    %dma_wait3A_105 = arith.constant 0 : i32
    %dma_wait3A_106 = tpu.memref_slice %arg7[%dma_wait3A_104, %dma_wait3A_105] : memref<512x16xf32, #tpu.memory_space<vmem>> -> memref<128x16xf32, #tpu.memory_space<vmem>>
    %dma_wait3A_107 = arith.constant 0 : i32
    %dma_wait3A_108 = tpu.memref_slice %arg6[%dma_wait3A_103, %dma_wait3A_107] : memref<8x128xi32, #tpu.memory_space<vmem>> -> memref<1x128xi32, #tpu.memory_space<vmem>>
    %dma_wait3A_109 = tpu.memref_squeeze %dma_wait3A_108 : memref<1x128xi32, #tpu.memory_space<vmem>> -> memref<128xi32, #tpu.memory_space<vmem>>
    %dma_wait3A_110 = arith.constant 0 : i32
    %dma_wait3A_111 = arith.constant 0 : i32
    %dma_wait3A_112 = tpu.memref_slice %arg3[%dma_wait3A_110, %dma_wait3A_111] : memref<256x16xf32, #tpu.memory_space<hbm>> -> memref<256x16xf32, #tpu.memory_space<hbm>>
    tpu.wait_indirect_dma semaphore(%arg10 : memref<!tpu.dma_semaphore, #tpu.memory_space<semaphore_mem>>) src(%dma_wait3A_112 : memref<256x16xf32, #tpu.memory_space<hbm>>) dst(%dma_wait3A_106 : memref<128x16xf32, #tpu.memory_space<vmem>>)
    %dma_wait3A_113 = arith.constant 3 : i32
    %dma_wait3A_114 = arith.constant 128 : i32
    %dma_wait3A_115 = arith.constant 0 : i32
    %dma_wait3A_116 = tpu.memref_slice %arg8[%dma_wait3A_114, %dma_wait3A_115] : memref<512x16xf32, #tpu.memory_space<vmem>> -> memref<128x16xf32, #tpu.memory_space<vmem>>
    %dma_wait3A_117 = arith.constant 0 : i32
    %dma_wait3A_118 = tpu.memref_slice %arg6[%dma_wait3A_113, %dma_wait3A_117] : memref<8x128xi32, #tpu.memory_space<vmem>> -> memref<1x128xi32, #tpu.memory_space<vmem>>
    %dma_wait3A_119 = tpu.memref_squeeze %dma_wait3A_118 : memref<1x128xi32, #tpu.memory_space<vmem>> -> memref<128xi32, #tpu.memory_space<vmem>>
    %dma_wait3A_120 = arith.constant 0 : i32
    %dma_wait3A_121 = arith.constant 0 : i32
    %dma_wait3A_122 = tpu.memref_slice %arg4[%dma_wait3A_120, %dma_wait3A_121] : memref<256x16xf32, #tpu.memory_space<hbm>> -> memref<256x16xf32, #tpu.memory_space<hbm>>
    tpu.wait_indirect_dma semaphore(%arg10 : memref<!tpu.dma_semaphore, #tpu.memory_space<semaphore_mem>>) src(%dma_wait3A_122 : memref<256x16xf32, #tpu.memory_space<hbm>>) dst(%dma_wait3A_116 : memref<128x16xf32, #tpu.memory_space<vmem>>)
    %dma_wait3A_123 = arith.constant 4 : i32
    %dma_wait3A_124 = arith.constant 256 : i32
    %dma_wait3A_125 = arith.constant 0 : i32
    %dma_wait3A_126 = tpu.memref_slice %arg7[%dma_wait3A_124, %dma_wait3A_125] : memref<512x16xf32, #tpu.memory_space<vmem>> -> memref<128x16xf32, #tpu.memory_space<vmem>>
    %dma_wait3A_127 = arith.constant 0 : i32
    %dma_wait3A_128 = tpu.memref_slice %arg6[%dma_wait3A_123, %dma_wait3A_127] : memref<8x128xi32, #tpu.memory_space<vmem>> -> memref<1x128xi32, #tpu.memory_space<vmem>>
    %dma_wait3A_129 = tpu.memref_squeeze %dma_wait3A_128 : memref<1x128xi32, #tpu.memory_space<vmem>> -> memref<128xi32, #tpu.memory_space<vmem>>
    %dma_wait3A_130 = arith.constant 0 : i32
    %dma_wait3A_131 = arith.constant 0 : i32
    %dma_wait3A_132 = tpu.memref_slice %arg3[%dma_wait3A_130, %dma_wait3A_131] : memref<256x16xf32, #tpu.memory_space<hbm>> -> memref<256x16xf32, #tpu.memory_space<hbm>>
    tpu.wait_indirect_dma semaphore(%arg10 : memref<!tpu.dma_semaphore, #tpu.memory_space<semaphore_mem>>) src(%dma_wait3A_132 : memref<256x16xf32, #tpu.memory_space<hbm>>) dst(%dma_wait3A_126 : memref<128x16xf32, #tpu.memory_space<vmem>>)
    %dma_wait3A_133 = arith.constant 5 : i32
    %dma_wait3A_134 = arith.constant 256 : i32
    %dma_wait3A_135 = arith.constant 0 : i32
    %dma_wait3A_136 = tpu.memref_slice %arg8[%dma_wait3A_134, %dma_wait3A_135] : memref<512x16xf32, #tpu.memory_space<vmem>> -> memref<128x16xf32, #tpu.memory_space<vmem>>
    %dma_wait3A_137 = arith.constant 0 : i32
    %dma_wait3A_138 = tpu.memref_slice %arg6[%dma_wait3A_133, %dma_wait3A_137] : memref<8x128xi32, #tpu.memory_space<vmem>> -> memref<1x128xi32, #tpu.memory_space<vmem>>
    %dma_wait3A_139 = tpu.memref_squeeze %dma_wait3A_138 : memref<1x128xi32, #tpu.memory_space<vmem>> -> memref<128xi32, #tpu.memory_space<vmem>>
    %dma_wait3A_140 = arith.constant 0 : i32
    %dma_wait3A_141 = arith.constant 0 : i32
    %dma_wait3A_142 = tpu.memref_slice %arg4[%dma_wait3A_140, %dma_wait3A_141] : memref<256x16xf32, #tpu.memory_space<hbm>> -> memref<256x16xf32, #tpu.memory_space<hbm>>
    tpu.wait_indirect_dma semaphore(%arg10 : memref<!tpu.dma_semaphore, #tpu.memory_space<semaphore_mem>>) src(%dma_wait3A_142 : memref<256x16xf32, #tpu.memory_space<hbm>>) dst(%dma_wait3A_136 : memref<128x16xf32, #tpu.memory_space<vmem>>)
    %dma_wait3A_143 = arith.constant 6 : i32
    %dma_wait3A_144 = arith.constant 384 : i32
    %dma_wait3A_145 = arith.constant 0 : i32
    %dma_wait3A_146 = tpu.memref_slice %arg7[%dma_wait3A_144, %dma_wait3A_145] : memref<512x16xf32, #tpu.memory_space<vmem>> -> memref<128x16xf32, #tpu.memory_space<vmem>>
    %dma_wait3A_147 = arith.constant 0 : i32
    %dma_wait3A_148 = tpu.memref_slice %arg6[%dma_wait3A_143, %dma_wait3A_147] : memref<8x128xi32, #tpu.memory_space<vmem>> -> memref<1x128xi32, #tpu.memory_space<vmem>>
    %dma_wait3A_149 = tpu.memref_squeeze %dma_wait3A_148 : memref<1x128xi32, #tpu.memory_space<vmem>> -> memref<128xi32, #tpu.memory_space<vmem>>
    %dma_wait3A_150 = arith.constant 0 : i32
    %dma_wait3A_151 = arith.constant 0 : i32
    %dma_wait3A_152 = tpu.memref_slice %arg3[%dma_wait3A_150, %dma_wait3A_151] : memref<256x16xf32, #tpu.memory_space<hbm>> -> memref<256x16xf32, #tpu.memory_space<hbm>>
    tpu.wait_indirect_dma semaphore(%arg10 : memref<!tpu.dma_semaphore, #tpu.memory_space<semaphore_mem>>) src(%dma_wait3A_152 : memref<256x16xf32, #tpu.memory_space<hbm>>) dst(%dma_wait3A_146 : memref<128x16xf32, #tpu.memory_space<vmem>>)
    %dma_wait3A_153 = arith.constant 7 : i32
    %dma_wait3A_154 = arith.constant 384 : i32
    %dma_wait3A_155 = arith.constant 0 : i32
    %dma_wait3A_156 = tpu.memref_slice %arg8[%dma_wait3A_154, %dma_wait3A_155] : memref<512x16xf32, #tpu.memory_space<vmem>> -> memref<128x16xf32, #tpu.memory_space<vmem>>
    %dma_wait3A_157 = arith.constant 0 : i32
    %dma_wait3A_158 = tpu.memref_slice %arg6[%dma_wait3A_153, %dma_wait3A_157] : memref<8x128xi32, #tpu.memory_space<vmem>> -> memref<1x128xi32, #tpu.memory_space<vmem>>
    %dma_wait3A_159 = tpu.memref_squeeze %dma_wait3A_158 : memref<1x128xi32, #tpu.memory_space<vmem>> -> memref<128xi32, #tpu.memory_space<vmem>>
    %dma_wait3A_160 = arith.constant 0 : i32
    %dma_wait3A_161 = arith.constant 0 : i32
    %dma_wait3A_162 = tpu.memref_slice %arg4[%dma_wait3A_160, %dma_wait3A_161] : memref<256x16xf32, #tpu.memory_space<hbm>> -> memref<256x16xf32, #tpu.memory_space<hbm>>
    tpu.wait_indirect_dma semaphore(%arg10 : memref<!tpu.dma_semaphore, #tpu.memory_space<semaphore_mem>>) src(%dma_wait3A_162 : memref<256x16xf32, #tpu.memory_space<hbm>>) dst(%dma_wait3A_156 : memref<128x16xf32, #tpu.memory_space<vmem>>)
    %parallel_loop3A = arith.constant 0 : i32
    %parallel_loop3A_163 = arith.constant 512 : i32
    %parallel_loop3A_164 = arith.constant 1 : i32
    scf.for %parallel_loop3A_255 = %parallel_loop3A to %parallel_loop3A_163 step %parallel_loop3A_164  : i32 {
      %parallel_loop3A_256 = arith.index_cast %parallel_loop3A_255 : i32 to index
      %parallel_loop3A_257 = arith.constant 0 : index
      %parallel_loop3A_258 = tpu.vector_load %arg7[%parallel_loop3A_256, %parallel_loop3A_257] {strides = array<i32>} : memref<512x16xf32, #tpu.memory_space<vmem>>, vector<16xf32>,
      %parallel_loop3A_259 = arith.index_cast %parallel_loop3A_255 : i32 to index
      %parallel_loop3A_260 = arith.constant 0 : index
      %parallel_loop3A_261 = tpu.vector_load %arg8[%parallel_loop3A_259, %parallel_loop3A_260] {strides = array<i32>} : memref<512x16xf32, #tpu.memory_space<vmem>>, vector<16xf32>,
      %parallel_loop3A_262 = arith.addf %parallel_loop3A_258, %parallel_loop3A_261 : vector<16xf32>
      %parallel_loop3A_263 = arith.index_cast %parallel_loop3A_255 : i32 to index
      %parallel_loop3A_264 = arith.constant 0 : index
      %parallel_loop3A_265 = tpu.vector_load %arg7[%parallel_loop3A_263, %parallel_loop3A_264] {strides = array<i32>} : memref<512x16xf32, #tpu.memory_space<vmem>>, vector<16xf32>,
      tpu.vector_store %arg7[%parallel_loop3A_263, %parallel_loop3A_264], %parallel_loop3A_262 {strides = array<i32>} : memref<512x16xf32, #tpu.memory_space<vmem>>, vector<16xf32>,
    } {sc.loop_unroll_factor = 8 : i64, sc.parallel_access}
    %iota3A = tpu.iota {dimensions = array<i32: 0>} : vector<16xi32>
    %broadcast_in_dim3A = arith.constant 0 : i32
    %broadcast_in_dim3A_165 = vector.broadcast %broadcast_in_dim3A : i32 to vector<16xi32>
    %add3A_166 = arith.constant 0 : i32
    %add3A_167 = vector.broadcast %add3A_166 : i32 to vector<16xi32>
    %add3A_168 = arith.addi %broadcast_in_dim3A_165, %add3A_167 : vector<16xi32>
    %broadcast_in_dim3A_169 = arith.constant 0 : i32
    %broadcast_in_dim3A_170 = vector.broadcast %broadcast_in_dim3A_169 : i32 to vector<16xi32>
    %add3A_171 = arith.constant 1 : i32
    %add3A_172 = vector.broadcast %add3A_171 : i32 to vector<16xi32>
    %add3A_173 = arith.addi %broadcast_in_dim3A_170, %add3A_172 : vector<16xi32>
    %broadcast_in_dim3A_174 = arith.constant 0 : i32
    %broadcast_in_dim3A_175 = vector.broadcast %broadcast_in_dim3A_174 : i32 to vector<16xi32>
    %add3A_176 = arith.constant 2 : i32
    %add3A_177 = vector.broadcast %add3A_176 : i32 to vector<16xi32>
    %add3A_178 = arith.addi %broadcast_in_dim3A_175, %add3A_177 : vector<16xi32>
    %broadcast_in_dim3A_179 = arith.constant 0 : i32
    %broadcast_in_dim3A_180 = vector.broadcast %broadcast_in_dim3A_179 : i32 to vector<16xi32>
    %add3A_181 = arith.constant 3 : i32
    %add3A_182 = vector.broadcast %add3A_181 : i32 to vector<16xi32>
    %add3A_183 = arith.addi %broadcast_in_dim3A_180, %add3A_182 : vector<16xi32>
    %broadcast_in_dim3A_184 = arith.constant 0 : i32
    %broadcast_in_dim3A_185 = vector.broadcast %broadcast_in_dim3A_184 : i32 to vector<16xi32>
    %add3A_186 = arith.constant 4 : i32
    %add3A_187 = vector.broadcast %add3A_186 : i32 to vector<16xi32>
    %add3A_188 = arith.addi %broadcast_in_dim3A_185, %add3A_187 : vector<16xi32>
    %broadcast_in_dim3A_189 = arith.constant 0 : i32
    %broadcast_in_dim3A_190 = vector.broadcast %broadcast_in_dim3A_189 : i32 to vector<16xi32>
    %add3A_191 = arith.constant 5 : i32
    %add3A_192 = vector.broadcast %add3A_191 : i32 to vector<16xi32>
    %add3A_193 = arith.addi %broadcast_in_dim3A_190, %add3A_192 : vector<16xi32>
    %broadcast_in_dim3A_194 = arith.constant 0 : i32
    %broadcast_in_dim3A_195 = vector.broadcast %broadcast_in_dim3A_194 : i32 to vector<16xi32>
    %add3A_196 = arith.constant 6 : i32
    %add3A_197 = vector.broadcast %add3A_196 : i32 to vector<16xi32>
    %add3A_198 = arith.addi %broadcast_in_dim3A_195, %add3A_197 : vector<16xi32>
    %broadcast_in_dim3A_199 = arith.constant 0 : i32
    %broadcast_in_dim3A_200 = vector.broadcast %broadcast_in_dim3A_199 : i32 to vector<16xi32>
    %add3A_201 = arith.constant 7 : i32
    %add3A_202 = vector.broadcast %add3A_201 : i32 to vector<16xi32>
    %add3A_203 = arith.addi %broadcast_in_dim3A_200, %add3A_202 : vector<16xi32>
    %broadcast_in_dim3A_204 = arith.constant 0 : i32
    %broadcast_in_dim3A_205 = vector.broadcast %broadcast_in_dim3A_204 : i32 to vector<16xi32>
    %add3A_206 = arith.constant 8 : i32
    %add3A_207 = vector.broadcast %add3A_206 : i32 to vector<16xi32>
    %add3A_208 = arith.addi %broadcast_in_dim3A_205, %add3A_207 : vector<16xi32>
    %broadcast_in_dim3A_209 = arith.constant 0 : i32
    %broadcast_in_dim3A_210 = vector.broadcast %broadcast_in_dim3A_209 : i32 to vector<16xi32>
    %add3A_211 = arith.constant 9 : i32
    %add3A_212 = vector.broadcast %add3A_211 : i32 to vector<16xi32>
    %add3A_213 = arith.addi %broadcast_in_dim3A_210, %add3A_212 : vector<16xi32>
    %broadcast_in_dim3A_214 = arith.constant 0 : i32
    %broadcast_in_dim3A_215 = vector.broadcast %broadcast_in_dim3A_214 : i32 to vector<16xi32>
    %add3A_216 = arith.constant 10 : i32
    %add3A_217 = vector.broadcast %add3A_216 : i32 to vector<16xi32>
    %add3A_218 = arith.addi %broadcast_in_dim3A_215, %add3A_217 : vector<16xi32>
    %broadcast_in_dim3A_219 = arith.constant 0 : i32
    %broadcast_in_dim3A_220 = vector.broadcast %broadcast_in_dim3A_219 : i32 to vector<16xi32>
    %add3A_221 = arith.constant 11 : i32
    %add3A_222 = vector.broadcast %add3A_221 : i32 to vector<16xi32>
    %add3A_223 = arith.addi %broadcast_in_dim3A_220, %add3A_222 : vector<16xi32>
    %broadcast_in_dim3A_224 = arith.constant 0 : i32
    %broadcast_in_dim3A_225 = vector.broadcast %broadcast_in_dim3A_224 : i32 to vector<16xi32>
    %add3A_226 = arith.constant 12 : i32
    %add3A_227 = vector.broadcast %add3A_226 : i32 to vector<16xi32>
    %add3A_228 = arith.addi %broadcast_in_dim3A_225, %add3A_227 : vector<16xi32>
    %broadcast_in_dim3A_229 = arith.constant 0 : i32
    %broadcast_in_dim3A_230 = vector.broadcast %broadcast_in_dim3A_229 : i32 to vector<16xi32>
    %add3A_231 = arith.constant 13 : i32
    %add3A_232 = vector.broadcast %add3A_231 : i32 to vector<16xi32>
    %add3A_233 = arith.addi %broadcast_in_dim3A_230, %add3A_232 : vector<16xi32>
    %broadcast_in_dim3A_234 = arith.constant 0 : i32
    %broadcast_in_dim3A_235 = vector.broadcast %broadcast_in_dim3A_234 : i32 to vector<16xi32>
    %add3A_236 = arith.constant 14 : i32
    %add3A_237 = vector.broadcast %add3A_236 : i32 to vector<16xi32>
    %add3A_238 = arith.addi %broadcast_in_dim3A_235, %add3A_237 : vector<16xi32>
    %broadcast_in_dim3A_239 = arith.constant 0 : i32
    %broadcast_in_dim3A_240 = vector.broadcast %broadcast_in_dim3A_239 : i32 to vector<16xi32>
    %add3A_241 = arith.constant 15 : i32
    %add3A_242 = vector.broadcast %add3A_241 : i32 to vector<16xi32>
    %add3A_243 = arith.addi %broadcast_in_dim3A_240, %add3A_242 : vector<16xi32>
    %parallel_loop3A_244 = arith.constant 0 : i32
    %parallel_loop3A_245 = arith.constant 32 : i32
    %parallel_loop3A_246 = arith.constant 1 : i32
    scf.for %parallel_loop3A_255 = %parallel_loop3A_244 to %parallel_loop3A_245 step %parallel_loop3A_246  : i32 {
      %parallel_loop3A_256 = arith.constant 16 : i32
      %parallel_loop3A_257 = arith.muli %parallel_loop3A_255, %parallel_loop3A_256 : i32
      %parallel_loop3A_258 = vector.broadcast %parallel_loop3A_257 : i32 to vector<16xi32>
      %parallel_loop3A_259 = arith.addi %iota3A, %parallel_loop3A_258 : vector<16xi32>
      %parallel_loop3A_260 = arith.constant 8 : i32
      %parallel_loop3A_261 = arith.divsi %parallel_loop3A_255, %parallel_loop3A_260 : i32
      %parallel_loop3A_262 = arith.constant 0 : i32
      %parallel_loop3A_263 = arith.cmpi sgt, %parallel_loop3A_255, %parallel_loop3A_262 : i32
      %parallel_loop3A_264 = arith.extui %parallel_loop3A_263 : i1 to i32
      %parallel_loop3A_265 = arith.constant 0 : i32
      %parallel_loop3A_266 = arith.cmpi slt, %parallel_loop3A_255, %parallel_loop3A_265 : i32
      %parallel_loop3A_267 = arith.extui %parallel_loop3A_266 : i1 to i32
      %parallel_loop3A_268 = arith.subi %parallel_loop3A_264, %parallel_loop3A_267 : i32
      %parallel_loop3A_269 = arith.constant 0 : i32
      %parallel_loop3A_270 = arith.cmpi sgt, %parallel_loop3A_260, %parallel_loop3A_269 : i32
      %parallel_loop3A_271 = arith.extui %parallel_loop3A_270 : i1 to i32
      %parallel_loop3A_272 = arith.constant 0 : i32
      %parallel_loop3A_273 = arith.cmpi slt, %parallel_loop3A_260, %parallel_loop3A_272 : i32
      %parallel_loop3A_274 = arith.extui %parallel_loop3A_273 : i1 to i32
      %parallel_loop3A_275 = arith.subi %parallel_loop3A_271, %parallel_loop3A_274 : i32
      %parallel_loop3A_276 = arith.cmpi ne, %parallel_loop3A_268, %parallel_loop3A_275 : i32
      %parallel_loop3A_277 = arith.remsi %parallel_loop3A_255, %parallel_loop3A_260 : i32
      %parallel_loop3A_278 = arith.constant 0 : i32
      %parallel_loop3A_279 = arith.cmpi ne, %parallel_loop3A_277, %parallel_loop3A_278 : i32
      %parallel_loop3A_280 = arith.andi %parallel_loop3A_276, %parallel_loop3A_279 : i1
      %parallel_loop3A_281 = arith.constant 1 : i32
      %parallel_loop3A_282 = arith.subi %parallel_loop3A_261, %parallel_loop3A_281 : i32
      %parallel_loop3A_283 = arith.select %parallel_loop3A_280, %parallel_loop3A_282, %parallel_loop3A_261 : i32
      %parallel_loop3A_284 = arith.constant 8 : i32
      %parallel_loop3A_285 = arith.constant 0 : i32
      %parallel_loop3A_286 = arith.cmpi eq, %parallel_loop3A_284, %parallel_loop3A_285 : i32
      %parallel_loop3A_287 = arith.constant 1 : i32
      %parallel_loop3A_288 = arith.select %parallel_loop3A_286, %parallel_loop3A_287, %parallel_loop3A_284 : i32
      %parallel_loop3A_289 = arith.remsi %parallel_loop3A_255, %parallel_loop3A_288 : i32
      %parallel_loop3A_290 = arith.constant 0 : i32
      %parallel_loop3A_291 = arith.cmpi ne, %parallel_loop3A_289, %parallel_loop3A_290 : i32
      %parallel_loop3A_292 = arith.constant 0 : i32
      %parallel_loop3A_293 = arith.cmpi slt, %parallel_loop3A_289, %parallel_loop3A_292 : i32
      %parallel_loop3A_294 = arith.constant 0 : i32
      %parallel_loop3A_295 = arith.cmpi slt, %parallel_loop3A_288, %parallel_loop3A_294 : i32
      %parallel_loop3A_296 = arith.xori %parallel_loop3A_293, %parallel_loop3A_295 : i1
      %parallel_loop3A_297 = arith.andi %parallel_loop3A_296, %parallel_loop3A_291 : i1
      %parallel_loop3A_298 = arith.addi %parallel_loop3A_289, %parallel_loop3A_288 : i32
      %parallel_loop3A_299 = arith.select %parallel_loop3A_297, %parallel_loop3A_298, %parallel_loop3A_289 : i32
      %parallel_loop3A_300 = tpu.vector_load_idx %arg7[%parallel_loop3A_259, %add3A_168] : memref<512x16xf32, #tpu.memory_space<vmem>>[vector<16xi32>, vector<16xi32>], vector<16xf32>,
      %parallel_loop3A_301 = arith.constant 8 : i32
      %parallel_loop3A_302 = arith.muli %parallel_loop3A_283, %parallel_loop3A_301 : i32
      %parallel_loop3A_303 = arith.constant 0 : i32
      %parallel_loop3A_304 = arith.addi %parallel_loop3A_303, %parallel_loop3A_302 : i32
      %parallel_loop3A_305 = arith.constant 16 : i32
      %parallel_loop3A_306 = arith.muli %parallel_loop3A_299, %parallel_loop3A_305 : i32
      %parallel_loop3A_307 = arith.index_cast %parallel_loop3A_304 : i32 to index
      %parallel_loop3A_308 = arith.index_cast %parallel_loop3A_306 : i32 to index
      %parallel_loop3A_309 = tpu.vector_load %arg9[%parallel_loop3A_307, %parallel_loop3A_308] {strides = array<i32>} : memref<64x128xf32, #tpu.memory_space<vmem>>, vector<16xf32>,
      tpu.vector_store %arg9[%parallel_loop3A_307, %parallel_loop3A_308], %parallel_loop3A_300 {strides = array<i32>} : memref<64x128xf32, #tpu.memory_space<vmem>>, vector<16xf32>,
      %parallel_loop3A_310 = tpu.vector_load_idx %arg7[%parallel_loop3A_259, %add3A_173] : memref<512x16xf32, #tpu.memory_space<vmem>>[vector<16xi32>, vector<16xi32>], vector<16xf32>,
      %parallel_loop3A_311 = arith.constant 8 : i32
      %parallel_loop3A_312 = arith.muli %parallel_loop3A_283, %parallel_loop3A_311 : i32
      %parallel_loop3A_313 = arith.constant 1 : i32
      %parallel_loop3A_314 = arith.addi %parallel_loop3A_313, %parallel_loop3A_312 : i32
      %parallel_loop3A_315 = arith.constant 16 : i32
      %parallel_loop3A_316 = arith.muli %parallel_loop3A_299, %parallel_loop3A_315 : i32
      %parallel_loop3A_317 = arith.index_cast %parallel_loop3A_314 : i32 to index
      %parallel_loop3A_318 = arith.index_cast %parallel_loop3A_316 : i32 to index
      %parallel_loop3A_319 = tpu.vector_load %arg9[%parallel_loop3A_317, %parallel_loop3A_318] {strides = array<i32>} : memref<64x128xf32, #tpu.memory_space<vmem>>, vector<16xf32>,
      tpu.vector_store %arg9[%parallel_loop3A_317, %parallel_loop3A_318], %parallel_loop3A_310 {strides = array<i32>} : memref<64x128xf32, #tpu.memory_space<vmem>>, vector<16xf32>,
      %parallel_loop3A_320 = tpu.vector_load_idx %arg7[%parallel_loop3A_259, %add3A_178] : memref<512x16xf32, #tpu.memory_space<vmem>>[vector<16xi32>, vector<16xi32>], vector<16xf32>,
      %parallel_loop3A_321 = arith.constant 8 : i32
      %parallel_loop3A_322 = arith.muli %parallel_loop3A_283, %parallel_loop3A_321 : i32
      %parallel_loop3A_323 = arith.constant 2 : i32
      %parallel_loop3A_324 = arith.addi %parallel_loop3A_323, %parallel_loop3A_322 : i32
      %parallel_loop3A_325 = arith.constant 16 : i32
      %parallel_loop3A_326 = arith.muli %parallel_loop3A_299, %parallel_loop3A_325 : i32
      %parallel_loop3A_327 = arith.index_cast %parallel_loop3A_324 : i32 to index
      %parallel_loop3A_328 = arith.index_cast %parallel_loop3A_326 : i32 to index
      %parallel_loop3A_329 = tpu.vector_load %arg9[%parallel_loop3A_327, %parallel_loop3A_328] {strides = array<i32>} : memref<64x128xf32, #tpu.memory_space<vmem>>, vector<16xf32>,
      tpu.vector_store %arg9[%parallel_loop3A_327, %parallel_loop3A_328], %parallel_loop3A_320 {strides = array<i32>} : memref<64x128xf32, #tpu.memory_space<vmem>>, vector<16xf32>,
      %parallel_loop3A_330 = tpu.vector_load_idx %arg7[%parallel_loop3A_259, %add3A_183] : memref<512x16xf32, #tpu.memory_space<vmem>>[vector<16xi32>, vector<16xi32>], vector<16xf32>,
      %parallel_loop3A_331 = arith.constant 8 : i32
      %parallel_loop3A_332 = arith.muli %parallel_loop3A_283, %parallel_loop3A_331 : i32
      %parallel_loop3A_333 = arith.constant 3 : i32
      %parallel_loop3A_334 = arith.addi %parallel_loop3A_333, %parallel_loop3A_332 : i32
      %parallel_loop3A_335 = arith.constant 16 : i32
      %parallel_loop3A_336 = arith.muli %parallel_loop3A_299, %parallel_loop3A_335 : i32
      %parallel_loop3A_337 = arith.index_cast %parallel_loop3A_334 : i32 to index
      %parallel_loop3A_338 = arith.index_cast %parallel_loop3A_336 : i32 to index
      %parallel_loop3A_339 = tpu.vector_load %arg9[%parallel_loop3A_337, %parallel_loop3A_338] {strides = array<i32>} : memref<64x128xf32, #tpu.memory_space<vmem>>, vector<16xf32>,
      tpu.vector_store %arg9[%parallel_loop3A_337, %parallel_loop3A_338], %parallel_loop3A_330 {strides = array<i32>} : memref<64x128xf32, #tpu.memory_space<vmem>>, vector<16xf32>,
      %parallel_loop3A_340 = tpu.vector_load_idx %arg7[%parallel_loop3A_259, %add3A_188] : memref<512x16xf32, #tpu.memory_space<vmem>>[vector<16xi32>, vector<16xi32>], vector<16xf32>,
      %parallel_loop3A_341 = arith.constant 8 : i32
      %parallel_loop3A_342 = arith.muli %parallel_loop3A_283, %parallel_loop3A_341 : i32
      %parallel_loop3A_343 = arith.constant 4 : i32
      %parallel_loop3A_344 = arith.addi %parallel_loop3A_343, %parallel_loop3A_342 : i32
      %parallel_loop3A_345 = arith.constant 16 : i32
      %parallel_loop3A_346 = arith.muli %parallel_loop3A_299, %parallel_loop3A_345 : i32
      %parallel_loop3A_347 = arith.index_cast %parallel_loop3A_344 : i32 to index
      %parallel_loop3A_348 = arith.index_cast %parallel_loop3A_346 : i32 to index
      %parallel_loop3A_349 = tpu.vector_load %arg9[%parallel_loop3A_347, %parallel_loop3A_348] {strides = array<i32>} : memref<64x128xf32, #tpu.memory_space<vmem>>, vector<16xf32>,
      tpu.vector_store %arg9[%parallel_loop3A_347, %parallel_loop3A_348], %parallel_loop3A_340 {strides = array<i32>} : memref<64x128xf32, #tpu.memory_space<vmem>>, vector<16xf32>,
      %parallel_loop3A_350 = tpu.vector_load_idx %arg7[%parallel_loop3A_259, %add3A_193] : memref<512x16xf32, #tpu.memory_space<vmem>>[vector<16xi32>, vector<16xi32>], vector<16xf32>,
      %parallel_loop3A_351 = arith.constant 8 : i32
      %parallel_loop3A_352 = arith.muli %parallel_loop3A_283, %parallel_loop3A_351 : i32
      %parallel_loop3A_353 = arith.constant 5 : i32
      %parallel_loop3A_354 = arith.addi %parallel_loop3A_353, %parallel_loop3A_352 : i32
      %parallel_loop3A_355 = arith.constant 16 : i32
      %parallel_loop3A_356 = arith.muli %parallel_loop3A_299, %parallel_loop3A_355 : i32
      %parallel_loop3A_357 = arith.index_cast %parallel_loop3A_354 : i32 to index
      %parallel_loop3A_358 = arith.index_cast %parallel_loop3A_356 : i32 to index
      %parallel_loop3A_359 = tpu.vector_load %arg9[%parallel_loop3A_357, %parallel_loop3A_358] {strides = array<i32>} : memref<64x128xf32, #tpu.memory_space<vmem>>, vector<16xf32>,
      tpu.vector_store %arg9[%parallel_loop3A_357, %parallel_loop3A_358], %parallel_loop3A_350 {strides = array<i32>} : memref<64x128xf32, #tpu.memory_space<vmem>>, vector<16xf32>,
      %parallel_loop3A_360 = tpu.vector_load_idx %arg7[%parallel_loop3A_259, %add3A_198] : memref<512x16xf32, #tpu.memory_space<vmem>>[vector<16xi32>, vector<16xi32>], vector<16xf32>,
      %parallel_loop3A_361 = arith.constant 8 : i32
      %parallel_loop3A_362 = arith.muli %parallel_loop3A_283, %parallel_loop3A_361 : i32
      %parallel_loop3A_363 = arith.constant 6 : i32
      %parallel_loop3A_364 = arith.addi %parallel_loop3A_363, %parallel_loop3A_362 : i32
      %parallel_loop3A_365 = arith.constant 16 : i32
      %parallel_loop3A_366 = arith.muli %parallel_loop3A_299, %parallel_loop3A_365 : i32
      %parallel_loop3A_367 = arith.index_cast %parallel_loop3A_364 : i32 to index
      %parallel_loop3A_368 = arith.index_cast %parallel_loop3A_366 : i32 to index
      %parallel_loop3A_369 = tpu.vector_load %arg9[%parallel_loop3A_367, %parallel_loop3A_368] {strides = array<i32>} : memref<64x128xf32, #tpu.memory_space<vmem>>, vector<16xf32>,
      tpu.vector_store %arg9[%parallel_loop3A_367, %parallel_loop3A_368], %parallel_loop3A_360 {strides = array<i32>} : memref<64x128xf32, #tpu.memory_space<vmem>>, vector<16xf32>,
      %parallel_loop3A_370 = tpu.vector_load_idx %arg7[%parallel_loop3A_259, %add3A_203] : memref<512x16xf32, #tpu.memory_space<vmem>>[vector<16xi32>, vector<16xi32>], vector<16xf32>,
      %parallel_loop3A_371 = arith.constant 8 : i32
      %parallel_loop3A_372 = arith.muli %parallel_loop3A_283, %parallel_loop3A_371 : i32
      %parallel_loop3A_373 = arith.constant 7 : i32
      %parallel_loop3A_374 = arith.addi %parallel_loop3A_373, %parallel_loop3A_372 : i32
      %parallel_loop3A_375 = arith.constant 16 : i32
      %parallel_loop3A_376 = arith.muli %parallel_loop3A_299, %parallel_loop3A_375 : i32
      %parallel_loop3A_377 = arith.index_cast %parallel_loop3A_374 : i32 to index
      %parallel_loop3A_378 = arith.index_cast %parallel_loop3A_376 : i32 to index
      %parallel_loop3A_379 = tpu.vector_load %arg9[%parallel_loop3A_377, %parallel_loop3A_378] {strides = array<i32>} : memref<64x128xf32, #tpu.memory_space<vmem>>, vector<16xf32>,
      tpu.vector_store %arg9[%parallel_loop3A_377, %parallel_loop3A_378], %parallel_loop3A_370 {strides = array<i32>} : memref<64x128xf32, #tpu.memory_space<vmem>>, vector<16xf32>,
      %parallel_loop3A_380 = tpu.vector_load_idx %arg7[%parallel_loop3A_259, %add3A_208] : memref<512x16xf32, #tpu.memory_space<vmem>>[vector<16xi32>, vector<16xi32>], vector<16xf32>,
      %parallel_loop3A_381 = arith.constant 8 : i32
      %parallel_loop3A_382 = arith.muli %parallel_loop3A_283, %parallel_loop3A_381 : i32
      %parallel_loop3A_383 = arith.constant 32 : i32
      %parallel_loop3A_384 = arith.addi %parallel_loop3A_383, %parallel_loop3A_382 : i32
      %parallel_loop3A_385 = arith.constant 16 : i32
      %parallel_loop3A_386 = arith.muli %parallel_loop3A_299, %parallel_loop3A_385 : i32
      %parallel_loop3A_387 = arith.index_cast %parallel_loop3A_384 : i32 to index
      %parallel_loop3A_388 = arith.index_cast %parallel_loop3A_386 : i32 to index
      %parallel_loop3A_389 = tpu.vector_load %arg9[%parallel_loop3A_387, %parallel_loop3A_388] {strides = array<i32>} : memref<64x128xf32, #tpu.memory_space<vmem>>, vector<16xf32>,
      tpu.vector_store %arg9[%parallel_loop3A_387, %parallel_loop3A_388], %parallel_loop3A_380 {strides = array<i32>} : memref<64x128xf32, #tpu.memory_space<vmem>>, vector<16xf32>,
      %parallel_loop3A_390 = tpu.vector_load_idx %arg7[%parallel_loop3A_259, %add3A_213] : memref<512x16xf32, #tpu.memory_space<vmem>>[vector<16xi32>, vector<16xi32>], vector<16xf32>,
      %parallel_loop3A_391 = arith.constant 8 : i32
      %parallel_loop3A_392 = arith.muli %parallel_loop3A_283, %parallel_loop3A_391 : i32
      %parallel_loop3A_393 = arith.constant 33 : i32
      %parallel_loop3A_394 = arith.addi %parallel_loop3A_393, %parallel_loop3A_392 : i32
      %parallel_loop3A_395 = arith.constant 16 : i32
      %parallel_loop3A_396 = arith.muli %parallel_loop3A_299, %parallel_loop3A_395 : i32
      %parallel_loop3A_397 = arith.index_cast %parallel_loop3A_394 : i32 to index
      %parallel_loop3A_398 = arith.index_cast %parallel_loop3A_396 : i32 to index
      %parallel_loop3A_399 = tpu.vector_load %arg9[%parallel_loop3A_397, %parallel_loop3A_398] {strides = array<i32>} : memref<64x128xf32, #tpu.memory_space<vmem>>, vector<16xf32>,
      tpu.vector_store %arg9[%parallel_loop3A_397, %parallel_loop3A_398], %parallel_loop3A_390 {strides = array<i32>} : memref<64x128xf32, #tpu.memory_space<vmem>>, vector<16xf32>,
      %parallel_loop3A_400 = tpu.vector_load_idx %arg7[%parallel_loop3A_259, %add3A_218] : memref<512x16xf32, #tpu.memory_space<vmem>>[vector<16xi32>, vector<16xi32>], vector<16xf32>,
      %parallel_loop3A_401 = arith.constant 8 : i32
      %parallel_loop3A_402 = arith.muli %parallel_loop3A_283, %parallel_loop3A_401 : i32
      %parallel_loop3A_403 = arith.constant 34 : i32
      %parallel_loop3A_404 = arith.addi %parallel_loop3A_403, %parallel_loop3A_402 : i32
      %parallel_loop3A_405 = arith.constant 16 : i32
      %parallel_loop3A_406 = arith.muli %parallel_loop3A_299, %parallel_loop3A_405 : i32
      %parallel_loop3A_407 = arith.index_cast %parallel_loop3A_404 : i32 to index
      %parallel_loop3A_408 = arith.index_cast %parallel_loop3A_406 : i32 to index
      %parallel_loop3A_409 = tpu.vector_load %arg9[%parallel_loop3A_407, %parallel_loop3A_408] {strides = array<i32>} : memref<64x128xf32, #tpu.memory_space<vmem>>, vector<16xf32>,
      tpu.vector_store %arg9[%parallel_loop3A_407, %parallel_loop3A_408], %parallel_loop3A_400 {strides = array<i32>} : memref<64x128xf32, #tpu.memory_space<vmem>>, vector<16xf32>,
      %parallel_loop3A_410 = tpu.vector_load_idx %arg7[%parallel_loop3A_259, %add3A_223] : memref<512x16xf32, #tpu.memory_space<vmem>>[vector<16xi32>, vector<16xi32>], vector<16xf32>,
      %parallel_loop3A_411 = arith.constant 8 : i32
      %parallel_loop3A_412 = arith.muli %parallel_loop3A_283, %parallel_loop3A_411 : i32
      %parallel_loop3A_413 = arith.constant 35 : i32
      %parallel_loop3A_414 = arith.addi %parallel_loop3A_413, %parallel_loop3A_412 : i32
      %parallel_loop3A_415 = arith.constant 16 : i32
      %parallel_loop3A_416 = arith.muli %parallel_loop3A_299, %parallel_loop3A_415 : i32
      %parallel_loop3A_417 = arith.index_cast %parallel_loop3A_414 : i32 to index
      %parallel_loop3A_418 = arith.index_cast %parallel_loop3A_416 : i32 to index
      %parallel_loop3A_419 = tpu.vector_load %arg9[%parallel_loop3A_417, %parallel_loop3A_418] {strides = array<i32>} : memref<64x128xf32, #tpu.memory_space<vmem>>, vector<16xf32>,
      tpu.vector_store %arg9[%parallel_loop3A_417, %parallel_loop3A_418], %parallel_loop3A_410 {strides = array<i32>} : memref<64x128xf32, #tpu.memory_space<vmem>>, vector<16xf32>,
      %parallel_loop3A_420 = tpu.vector_load_idx %arg7[%parallel_loop3A_259, %add3A_228] : memref<512x16xf32, #tpu.memory_space<vmem>>[vector<16xi32>, vector<16xi32>], vector<16xf32>,
      %parallel_loop3A_421 = arith.constant 8 : i32
      %parallel_loop3A_422 = arith.muli %parallel_loop3A_283, %parallel_loop3A_421 : i32
      %parallel_loop3A_423 = arith.constant 36 : i32
      %parallel_loop3A_424 = arith.addi %parallel_loop3A_423, %parallel_loop3A_422 : i32
      %parallel_loop3A_425 = arith.constant 16 : i32
      %parallel_loop3A_426 = arith.muli %parallel_loop3A_299, %parallel_loop3A_425 : i32
      %parallel_loop3A_427 = arith.index_cast %parallel_loop3A_424 : i32 to index
      %parallel_loop3A_428 = arith.index_cast %parallel_loop3A_426 : i32 to index
      %parallel_loop3A_429 = tpu.vector_load %arg9[%parallel_loop3A_427, %parallel_loop3A_428] {strides = array<i32>} : memref<64x128xf32, #tpu.memory_space<vmem>>, vector<16xf32>,
      tpu.vector_store %arg9[%parallel_loop3A_427, %parallel_loop3A_428], %parallel_loop3A_420 {strides = array<i32>} : memref<64x128xf32, #tpu.memory_space<vmem>>, vector<16xf32>,
      %parallel_loop3A_430 = tpu.vector_load_idx %arg7[%parallel_loop3A_259, %add3A_233] : memref<512x16xf32, #tpu.memory_space<vmem>>[vector<16xi32>, vector<16xi32>], vector<16xf32>,
      %parallel_loop3A_431 = arith.constant 8 : i32
      %parallel_loop3A_432 = arith.muli %parallel_loop3A_283, %parallel_loop3A_431 : i32
      %parallel_loop3A_433 = arith.constant 37 : i32
      %parallel_loop3A_434 = arith.addi %parallel_loop3A_433, %parallel_loop3A_432 : i32
      %parallel_loop3A_435 = arith.constant 16 : i32
      %parallel_loop3A_436 = arith.muli %parallel_loop3A_299, %parallel_loop3A_435 : i32
      %parallel_loop3A_437 = arith.index_cast %parallel_loop3A_434 : i32 to index
      %parallel_loop3A_438 = arith.index_cast %parallel_loop3A_436 : i32 to index
      %parallel_loop3A_439 = tpu.vector_load %arg9[%parallel_loop3A_437, %parallel_loop3A_438] {strides = array<i32>} : memref<64x128xf32, #tpu.memory_space<vmem>>, vector<16xf32>,
      tpu.vector_store %arg9[%parallel_loop3A_437, %parallel_loop3A_438], %parallel_loop3A_430 {strides = array<i32>} : memref<64x128xf32, #tpu.memory_space<vmem>>, vector<16xf32>,
      %parallel_loop3A_440 = tpu.vector_load_idx %arg7[%parallel_loop3A_259, %add3A_238] : memref<512x16xf32, #tpu.memory_space<vmem>>[vector<16xi32>, vector<16xi32>], vector<16xf32>,
      %parallel_loop3A_441 = arith.constant 8 : i32
      %parallel_loop3A_442 = arith.muli %parallel_loop3A_283, %parallel_loop3A_441 : i32
      %parallel_loop3A_443 = arith.constant 38 : i32
      %parallel_loop3A_444 = arith.addi %parallel_loop3A_443, %parallel_loop3A_442 : i32
      %parallel_loop3A_445 = arith.constant 16 : i32
      %parallel_loop3A_446 = arith.muli %parallel_loop3A_299, %parallel_loop3A_445 : i32
      %parallel_loop3A_447 = arith.index_cast %parallel_loop3A_444 : i32 to index
      %parallel_loop3A_448 = arith.index_cast %parallel_loop3A_446 : i32 to index
      %parallel_loop3A_449 = tpu.vector_load %arg9[%parallel_loop3A_447, %parallel_loop3A_448] {strides = array<i32>} : memref<64x128xf32, #tpu.memory_space<vmem>>, vector<16xf32>,
      tpu.vector_store %arg9[%parallel_loop3A_447, %parallel_loop3A_448], %parallel_loop3A_440 {strides = array<i32>} : memref<64x128xf32, #tpu.memory_space<vmem>>, vector<16xf32>,
      %parallel_loop3A_450 = tpu.vector_load_idx %arg7[%parallel_loop3A_259, %add3A_243] : memref<512x16xf32, #tpu.memory_space<vmem>>[vector<16xi32>, vector<16xi32>], vector<16xf32>,
      %parallel_loop3A_451 = arith.constant 8 : i32
      %parallel_loop3A_452 = arith.muli %parallel_loop3A_283, %parallel_loop3A_451 : i32
      %parallel_loop3A_453 = arith.constant 39 : i32
      %parallel_loop3A_454 = arith.addi %parallel_loop3A_453, %parallel_loop3A_452 : i32
      %parallel_loop3A_455 = arith.constant 16 : i32
      %parallel_loop3A_456 = arith.muli %parallel_loop3A_299, %parallel_loop3A_455 : i32
      %parallel_loop3A_457 = arith.index_cast %parallel_loop3A_454 : i32 to index
      %parallel_loop3A_458 = arith.index_cast %parallel_loop3A_456 : i32 to index
      %parallel_loop3A_459 = tpu.vector_load %arg9[%parallel_loop3A_457, %parallel_loop3A_458] {strides = array<i32>} : memref<64x128xf32, #tpu.memory_space<vmem>>, vector<16xf32>,
      tpu.vector_store %arg9[%parallel_loop3A_457, %parallel_loop3A_458], %parallel_loop3A_450 {strides = array<i32>} : memref<64x128xf32, #tpu.memory_space<vmem>>, vector<16xf32>,
    } {sc.loop_unroll_factor = 2 : i64, sc.parallel_access}
    %add3A_247 = arith.constant 0 : i32
    %add3A_248 = arith.addi %add3A_247, %add3A : i32
    %mul3A_249 = arith.constant 32 : i32
    %mul3A_250 = arith.muli %add3A_248, %mul3A_249 : i32
    "tpu.region"() ({
      %run_scoped3A = tpu.sem_alloc : memref<!tpu.dma_semaphore, #tpu.memory_space<semaphore_mem>>
      %dma_start3A_255 = arith.constant 0 : i32
      %dma_start3A_256 = arith.constant 0 : i32
      %dma_start3A_257 = tpu.memref_slice %arg9[%dma_start3A_255, %dma_start3A_256] : memref<64x128xf32, #tpu.memory_space<vmem>> -> memref<32x128xf32, #tpu.memory_space<vmem>>
      %dma_start3A_258 = arith.constant 0 : i32
      %dma_start3A_259 = tpu.memref_slice %arg5[%mul3A_250, %dma_start3A_258] : memref<2048x128xf32, #tpu.memory_space<hbm>> -> memref<32x128xf32, #tpu.memory_space<hbm>>
      %dma_start3A_260 = arith.constant 0 : i32
      %dma_start3A_261 = tpu.memref_slice %arg5[%mul3A_250, %dma_start3A_260] : memref<2048x128xf32, #tpu.memory_space<hbm>> -> memref<32x128xf32, #tpu.memory_space<hbm>>
      %dma_start3A_262 = arith.constant 0 : i32
      %dma_start3A_263 = arith.constant 0 : i32
      %dma_start3A_264 = tpu.memref_slice %arg9[%dma_start3A_262, %dma_start3A_263] : memref<64x128xf32, #tpu.memory_space<vmem>> -> memref<32x128xf32, #tpu.memory_space<vmem>>
      tpu.enqueue_dma source(%dma_start3A_264 : memref<32x128xf32, #tpu.memory_space<vmem>>) target(%dma_start3A_261 : memref<32x128xf32, #tpu.memory_space<hbm>>) target_semaphore(%run_scoped3A : memref<!tpu.dma_semaphore, #tpu.memory_space<semaphore_mem>>)
      %dma_wait3A_265 = arith.constant 0 : i32
      %dma_wait3A_266 = arith.constant 0 : i32
      %dma_wait3A_267 = tpu.memref_slice %arg9[%dma_wait3A_265, %dma_wait3A_266] : memref<64x128xf32, #tpu.memory_space<vmem>> -> memref<32x128xf32, #tpu.memory_space<vmem>>
      %dma_wait3A_268 = arith.constant 0 : i32
      %dma_wait3A_269 = tpu.memref_slice %arg5[%mul3A_250, %dma_wait3A_268] : memref<2048x128xf32, #tpu.memory_space<hbm>> -> memref<32x128xf32, #tpu.memory_space<hbm>>
      %dma_wait3A_270 = arith.constant 0 : i32
      %dma_wait3A_271 = tpu.memref_slice %arg5[%mul3A_250, %dma_wait3A_270] : memref<2048x128xf32, #tpu.memory_space<hbm>> -> memref<32x128xf32, #tpu.memory_space<hbm>>
      %dma_wait3A_272 = arith.constant 0 : i32
      %dma_wait3A_273 = arith.constant 0 : i32
      %dma_wait3A_274 = tpu.memref_slice %arg9[%dma_wait3A_272, %dma_wait3A_273] : memref<64x128xf32, #tpu.memory_space<vmem>> -> memref<32x128xf32, #tpu.memory_space<vmem>>
      tpu.wait_dma2 semaphore(%run_scoped3A : memref<!tpu.dma_semaphore, #tpu.memory_space<semaphore_mem>>) src(%dma_wait3A_274 : memref<32x128xf32, #tpu.memory_space<vmem>>) dst(%dma_wait3A_271 : memref<32x128xf32, #tpu.memory_space<hbm>>)
      tpu.yield
    }) : () -> ()
    %add3A_251 = arith.constant 32 : i32
    %add3A_252 = arith.addi %add3A_251, %add3A : i32
    %mul3A_253 = arith.constant 32 : i32
    %mul3A_254 = arith.muli %add3A_252, %mul3A_253 : i32
    "tpu.region"() ({
      %run_scoped3A = tpu.sem_alloc : memref<!tpu.dma_semaphore, #tpu.memory_space<semaphore_mem>>
      %dma_start3A_255 = arith.constant 32 : i32
      %dma_start3A_256 = arith.constant 0 : i32
      %dma_start3A_257 = tpu.memref_slice %arg9[%dma_start3A_255, %dma_start3A_256] : memref<64x128xf32, #tpu.memory_space<vmem>> -> memref<32x128xf32, #tpu.memory_space<vmem>>
      %dma_start3A_258 = arith.constant 0 : i32
      %dma_start3A_259 = tpu.memref_slice %arg5[%mul3A_254, %dma_start3A_258] : memref<2048x128xf32, #tpu.memory_space<hbm>> -> memref<32x128xf32, #tpu.memory_space<hbm>>
      %dma_start3A_260 = arith.constant 0 : i32
      %dma_start3A_261 = tpu.memref_slice %arg5[%mul3A_254, %dma_start3A_260] : memref<2048x128xf32, #tpu.memory_space<hbm>> -> memref<32x128xf32, #tpu.memory_space<hbm>>
      %dma_start3A_262 = arith.constant 32 : i32
      %dma_start3A_263 = arith.constant 0 : i32
      %dma_start3A_264 = tpu.memref_slice %arg9[%dma_start3A_262, %dma_start3A_263] : memref<64x128xf32, #tpu.memory_space<vmem>> -> memref<32x128xf32, #tpu.memory_space<vmem>>
      tpu.enqueue_dma source(%dma_start3A_264 : memref<32x128xf32, #tpu.memory_space<vmem>>) target(%dma_start3A_261 : memref<32x128xf32, #tpu.memory_space<hbm>>) target_semaphore(%run_scoped3A : memref<!tpu.dma_semaphore, #tpu.memory_space<semaphore_mem>>)
      %dma_wait3A_265 = arith.constant 32 : i32
      %dma_wait3A_266 = arith.constant 0 : i32
      %dma_wait3A_267 = tpu.memref_slice %arg9[%dma_wait3A_265, %dma_wait3A_266] : memref<64x128xf32, #tpu.memory_space<vmem>> -> memref<32x128xf32, #tpu.memory_space<vmem>>
      %dma_wait3A_268 = arith.constant 0 : i32
      %dma_wait3A_269 = tpu.memref_slice %arg5[%mul3A_254, %dma_wait3A_268] : memref<2048x128xf32, #tpu.memory_space<hbm>> -> memref<32x128xf32, #tpu.memory_space<hbm>>
      %dma_wait3A_270 = arith.constant 0 : i32
      %dma_wait3A_271 = tpu.memref_slice %arg5[%mul3A_254, %dma_wait3A_270] : memref<2048x128xf32, #tpu.memory_space<hbm>> -> memref<32x128xf32, #tpu.memory_space<hbm>>
      %dma_wait3A_272 = arith.constant 32 : i32
      %dma_wait3A_273 = arith.constant 0 : i32
      %dma_wait3A_274 = tpu.memref_slice %arg9[%dma_wait3A_272, %dma_wait3A_273] : memref<64x128xf32, #tpu.memory_space<vmem>> -> memref<32x128xf32, #tpu.memory_space<vmem>>
      tpu.wait_dma2 semaphore(%run_scoped3A : memref<!tpu.dma_semaphore, #tpu.memory_space<semaphore_mem>>) src(%dma_wait3A_274 : memref<32x128xf32, #tpu.memory_space<vmem>>) dst(%dma_wait3A_271 : memref<32x128xf32, #tpu.memory_space<hbm>>)
      tpu.yield
    }) : () -> ()
    return
  }
}

module attributes {stable_mosaic.version = 14 : i64} {
  func.func @_proj_body(%arg0: memref<25x8x128xf32, #tpu.memory_space<vmem>>, %arg1: memref<25x8x128xf32, #tpu.memory_space<vmem>>, %arg2: memref<16x256xf32, #tpu.memory_space<vmem>>, %arg3: memref<1x16xf32, #tpu.memory_space<vmem>>, %arg4: memref<32x128xf32, #tpu.memory_space<vmem>>, %arg5: memref<32x128xf32, #tpu.memory_space<vmem>>) attributes {dimension_semantics = [], scalar_prefetch = 0 : i64, scratch_operands = 0 : i64, tpu.core_type = #tpu.core_type<tc>} {
    %get3A = arith.constant 0 : index
    %get3A_0 = arith.constant 0 : index
    %get3A_1 = arith.constant 0 : index
    %get3A_2 = vector.load %arg0[%get3A, %get3A_0, %get3A_1] : memref<25x8x128xf32, #tpu.memory_space<vmem>>, vector<25x1x128xf32>
    %get3A_3 = vector.shape_cast %get3A_2 : vector<25x1x128xf32> to vector<25x128xf32>
    %get3A_4 = arith.constant 0 : index
    %get3A_5 = arith.constant 0 : index
    %get3A_6 = vector.load %arg2[%get3A_4, %get3A_5] : memref<16x256xf32, #tpu.memory_space<vmem>>, vector<16x128xf32>
    %dot_general3A = arith.constant dense<0.000000e+00> : vector<25x16xf32>
    %dot_general3A_7 = tpu.matmul %get3A_3, %get3A_6, %dot_general3A {dimension_numbers = #tpu.dot_dimension_numbers<[1], [1], [0], [0], [0, 0, 1, 0], [], []>, precision = #tpu.contract_precision<fp32>, transpose_lhs_hint = false} : vector<25x128xf32>, vector<16x128xf32>, vector<25x16xf32> -> vector<25x16xf32>
    %get3A_8 = arith.constant 0 : index
    %get3A_9 = arith.constant 0 : index
    %get3A_10 = vector.load %arg3[%get3A_8, %get3A_9] : memref<1x16xf32, #tpu.memory_space<vmem>>, vector<1x16xf32>
    %add3A = vector.broadcast %get3A_10 : vector<1x16xf32> to vector<25x16xf32>
    %add3A_11 = arith.addf %dot_general3A_7, %add3A : vector<25x16xf32>
    %swap3A = arith.constant 0 : index
    %swap3A_12 = arith.constant 0 : index
    %swap3A_13 = vector.load %arg4[%swap3A, %swap3A_12] : memref<32x128xf32, #tpu.memory_space<vmem>>, vector<25x16xf32>
    tpu.vector_store %arg4[%swap3A, %swap3A_12], %add3A_11 {strides = array<i32>} : memref<32x128xf32, #tpu.memory_space<vmem>>, vector<25x16xf32>,
    %get3A_14 = arith.constant 0 : index
    %get3A_15 = arith.constant 0 : index
    %get3A_16 = arith.constant 0 : index
    %get3A_17 = vector.load %arg1[%get3A_14, %get3A_15, %get3A_16] : memref<25x8x128xf32, #tpu.memory_space<vmem>>, vector<25x1x128xf32>
    %get3A_18 = vector.shape_cast %get3A_17 : vector<25x1x128xf32> to vector<25x128xf32>
    %get3A_19 = arith.constant 0 : index
    %get3A_20 = arith.constant 128 : index
    %get3A_21 = vector.load %arg2[%get3A_19, %get3A_20] : memref<16x256xf32, #tpu.memory_space<vmem>>, vector<16x128xf32>
    %dot_general3A_22 = arith.constant dense<0.000000e+00> : vector<25x16xf32>
    %dot_general3A_23 = tpu.matmul %get3A_18, %get3A_21, %dot_general3A_22 {dimension_numbers = #tpu.dot_dimension_numbers<[1], [1], [0], [0], [0, 0, 1, 0], [], []>, precision = #tpu.contract_precision<fp32>, transpose_lhs_hint = false} : vector<25x128xf32>, vector<16x128xf32>, vector<25x16xf32> -> vector<25x16xf32>
    %swap3A_24 = arith.constant 0 : index
    %swap3A_25 = arith.constant 0 : index
    %swap3A_26 = vector.load %arg5[%swap3A_24, %swap3A_25] : memref<32x128xf32, #tpu.memory_space<vmem>>, vector<25x16xf32>
    tpu.vector_store %arg5[%swap3A_24, %swap3A_25], %dot_general3A_23 {strides = array<i32>} : memref<32x128xf32, #tpu.memory_space<vmem>>, vector<25x16xf32>,
    %get3A_27 = arith.constant 0 : index
    %get3A_28 = arith.constant 1 : index
    %get3A_29 = arith.constant 0 : index
    %get3A_30 = vector.load %arg0[%get3A_27, %get3A_28, %get3A_29] : memref<25x8x128xf32, #tpu.memory_space<vmem>>, vector<25x1x128xf32>
    %get3A_31 = vector.shape_cast %get3A_30 : vector<25x1x128xf32> to vector<25x128xf32>
    %get3A_32 = arith.constant 0 : index
    %get3A_33 = arith.constant 0 : index
    %get3A_34 = vector.load %arg2[%get3A_32, %get3A_33] : memref<16x256xf32, #tpu.memory_space<vmem>>, vector<16x128xf32>
    %dot_general3A_35 = arith.constant dense<0.000000e+00> : vector<25x16xf32>
    %dot_general3A_36 = tpu.matmul %get3A_31, %get3A_34, %dot_general3A_35 {dimension_numbers = #tpu.dot_dimension_numbers<[1], [1], [0], [0], [0, 0, 1, 0], [], []>, precision = #tpu.contract_precision<fp32>, transpose_lhs_hint = false} : vector<25x128xf32>, vector<16x128xf32>, vector<25x16xf32> -> vector<25x16xf32>
    %get3A_37 = arith.constant 0 : index
    %get3A_38 = arith.constant 0 : index
    %get3A_39 = vector.load %arg3[%get3A_37, %get3A_38] : memref<1x16xf32, #tpu.memory_space<vmem>>, vector<1x16xf32>
    %add3A_40 = vector.broadcast %get3A_39 : vector<1x16xf32> to vector<25x16xf32>
    %add3A_41 = arith.addf %dot_general3A_36, %add3A_40 : vector<25x16xf32>
    %swap3A_42 = arith.constant 0 : index
    %swap3A_43 = arith.constant 16 : index
    %swap3A_44 = vector.load %arg4[%swap3A_42, %swap3A_43] : memref<32x128xf32, #tpu.memory_space<vmem>>, vector<25x16xf32>
    tpu.vector_store %arg4[%swap3A_42, %swap3A_43], %add3A_41 {strides = array<i32>} : memref<32x128xf32, #tpu.memory_space<vmem>>, vector<25x16xf32>,
    %get3A_45 = arith.constant 0 : index
    %get3A_46 = arith.constant 1 : index
    %get3A_47 = arith.constant 0 : index
    %get3A_48 = vector.load %arg1[%get3A_45, %get3A_46, %get3A_47] : memref<25x8x128xf32, #tpu.memory_space<vmem>>, vector<25x1x128xf32>
    %get3A_49 = vector.shape_cast %get3A_48 : vector<25x1x128xf32> to vector<25x128xf32>
    %get3A_50 = arith.constant 0 : index
    %get3A_51 = arith.constant 128 : index
    %get3A_52 = vector.load %arg2[%get3A_50, %get3A_51] : memref<16x256xf32, #tpu.memory_space<vmem>>, vector<16x128xf32>
    %dot_general3A_53 = arith.constant dense<0.000000e+00> : vector<25x16xf32>
    %dot_general3A_54 = tpu.matmul %get3A_49, %get3A_52, %dot_general3A_53 {dimension_numbers = #tpu.dot_dimension_numbers<[1], [1], [0], [0], [0, 0, 1, 0], [], []>, precision = #tpu.contract_precision<fp32>, transpose_lhs_hint = false} : vector<25x128xf32>, vector<16x128xf32>, vector<25x16xf32> -> vector<25x16xf32>
    %swap3A_55 = arith.constant 0 : index
    %swap3A_56 = arith.constant 16 : index
    %swap3A_57 = vector.load %arg5[%swap3A_55, %swap3A_56] : memref<32x128xf32, #tpu.memory_space<vmem>>, vector<25x16xf32>
    tpu.vector_store %arg5[%swap3A_55, %swap3A_56], %dot_general3A_54 {strides = array<i32>} : memref<32x128xf32, #tpu.memory_space<vmem>>, vector<25x16xf32>,
    %get3A_58 = arith.constant 0 : index
    %get3A_59 = arith.constant 2 : index
    %get3A_60 = arith.constant 0 : index
    %get3A_61 = vector.load %arg0[%get3A_58, %get3A_59, %get3A_60] : memref<25x8x128xf32, #tpu.memory_space<vmem>>, vector<25x1x128xf32>
    %get3A_62 = vector.shape_cast %get3A_61 : vector<25x1x128xf32> to vector<25x128xf32>
    %get3A_63 = arith.constant 0 : index
    %get3A_64 = arith.constant 0 : index
    %get3A_65 = vector.load %arg2[%get3A_63, %get3A_64] : memref<16x256xf32, #tpu.memory_space<vmem>>, vector<16x128xf32>
    %dot_general3A_66 = arith.constant dense<0.000000e+00> : vector<25x16xf32>
    %dot_general3A_67 = tpu.matmul %get3A_62, %get3A_65, %dot_general3A_66 {dimension_numbers = #tpu.dot_dimension_numbers<[1], [1], [0], [0], [0, 0, 1, 0], [], []>, precision = #tpu.contract_precision<fp32>, transpose_lhs_hint = false} : vector<25x128xf32>, vector<16x128xf32>, vector<25x16xf32> -> vector<25x16xf32>
    %get3A_68 = arith.constant 0 : index
    %get3A_69 = arith.constant 0 : index
    %get3A_70 = vector.load %arg3[%get3A_68, %get3A_69] : memref<1x16xf32, #tpu.memory_space<vmem>>, vector<1x16xf32>
    %add3A_71 = vector.broadcast %get3A_70 : vector<1x16xf32> to vector<25x16xf32>
    %add3A_72 = arith.addf %dot_general3A_67, %add3A_71 : vector<25x16xf32>
    %swap3A_73 = arith.constant 0 : index
    %swap3A_74 = arith.constant 32 : index
    %swap3A_75 = vector.load %arg4[%swap3A_73, %swap3A_74] : memref<32x128xf32, #tpu.memory_space<vmem>>, vector<25x16xf32>
    tpu.vector_store %arg4[%swap3A_73, %swap3A_74], %add3A_72 {strides = array<i32>} : memref<32x128xf32, #tpu.memory_space<vmem>>, vector<25x16xf32>,
    %get3A_76 = arith.constant 0 : index
    %get3A_77 = arith.constant 2 : index
    %get3A_78 = arith.constant 0 : index
    %get3A_79 = vector.load %arg1[%get3A_76, %get3A_77, %get3A_78] : memref<25x8x128xf32, #tpu.memory_space<vmem>>, vector<25x1x128xf32>
    %get3A_80 = vector.shape_cast %get3A_79 : vector<25x1x128xf32> to vector<25x128xf32>
    %get3A_81 = arith.constant 0 : index
    %get3A_82 = arith.constant 128 : index
    %get3A_83 = vector.load %arg2[%get3A_81, %get3A_82] : memref<16x256xf32, #tpu.memory_space<vmem>>, vector<16x128xf32>
    %dot_general3A_84 = arith.constant dense<0.000000e+00> : vector<25x16xf32>
    %dot_general3A_85 = tpu.matmul %get3A_80, %get3A_83, %dot_general3A_84 {dimension_numbers = #tpu.dot_dimension_numbers<[1], [1], [0], [0], [0, 0, 1, 0], [], []>, precision = #tpu.contract_precision<fp32>, transpose_lhs_hint = false} : vector<25x128xf32>, vector<16x128xf32>, vector<25x16xf32> -> vector<25x16xf32>
    %swap3A_86 = arith.constant 0 : index
    %swap3A_87 = arith.constant 32 : index
    %swap3A_88 = vector.load %arg5[%swap3A_86, %swap3A_87] : memref<32x128xf32, #tpu.memory_space<vmem>>, vector<25x16xf32>
    tpu.vector_store %arg5[%swap3A_86, %swap3A_87], %dot_general3A_85 {strides = array<i32>} : memref<32x128xf32, #tpu.memory_space<vmem>>, vector<25x16xf32>,
    %get3A_89 = arith.constant 0 : index
    %get3A_90 = arith.constant 3 : index
    %get3A_91 = arith.constant 0 : index
    %get3A_92 = vector.load %arg0[%get3A_89, %get3A_90, %get3A_91] : memref<25x8x128xf32, #tpu.memory_space<vmem>>, vector<25x1x128xf32>
    %get3A_93 = vector.shape_cast %get3A_92 : vector<25x1x128xf32> to vector<25x128xf32>
    %get3A_94 = arith.constant 0 : index
    %get3A_95 = arith.constant 0 : index
    %get3A_96 = vector.load %arg2[%get3A_94, %get3A_95] : memref<16x256xf32, #tpu.memory_space<vmem>>, vector<16x128xf32>
    %dot_general3A_97 = arith.constant dense<0.000000e+00> : vector<25x16xf32>
    %dot_general3A_98 = tpu.matmul %get3A_93, %get3A_96, %dot_general3A_97 {dimension_numbers = #tpu.dot_dimension_numbers<[1], [1], [0], [0], [0, 0, 1, 0], [], []>, precision = #tpu.contract_precision<fp32>, transpose_lhs_hint = false} : vector<25x128xf32>, vector<16x128xf32>, vector<25x16xf32> -> vector<25x16xf32>
    %get3A_99 = arith.constant 0 : index
    %get3A_100 = arith.constant 0 : index
    %get3A_101 = vector.load %arg3[%get3A_99, %get3A_100] : memref<1x16xf32, #tpu.memory_space<vmem>>, vector<1x16xf32>
    %add3A_102 = vector.broadcast %get3A_101 : vector<1x16xf32> to vector<25x16xf32>
    %add3A_103 = arith.addf %dot_general3A_98, %add3A_102 : vector<25x16xf32>
    %swap3A_104 = arith.constant 0 : index
    %swap3A_105 = arith.constant 48 : index
    %swap3A_106 = vector.load %arg4[%swap3A_104, %swap3A_105] : memref<32x128xf32, #tpu.memory_space<vmem>>, vector<25x16xf32>
    tpu.vector_store %arg4[%swap3A_104, %swap3A_105], %add3A_103 {strides = array<i32>} : memref<32x128xf32, #tpu.memory_space<vmem>>, vector<25x16xf32>,
    %get3A_107 = arith.constant 0 : index
    %get3A_108 = arith.constant 3 : index
    %get3A_109 = arith.constant 0 : index
    %get3A_110 = vector.load %arg1[%get3A_107, %get3A_108, %get3A_109] : memref<25x8x128xf32, #tpu.memory_space<vmem>>, vector<25x1x128xf32>
    %get3A_111 = vector.shape_cast %get3A_110 : vector<25x1x128xf32> to vector<25x128xf32>
    %get3A_112 = arith.constant 0 : index
    %get3A_113 = arith.constant 128 : index
    %get3A_114 = vector.load %arg2[%get3A_112, %get3A_113] : memref<16x256xf32, #tpu.memory_space<vmem>>, vector<16x128xf32>
    %dot_general3A_115 = arith.constant dense<0.000000e+00> : vector<25x16xf32>
    %dot_general3A_116 = tpu.matmul %get3A_111, %get3A_114, %dot_general3A_115 {dimension_numbers = #tpu.dot_dimension_numbers<[1], [1], [0], [0], [0, 0, 1, 0], [], []>, precision = #tpu.contract_precision<fp32>, transpose_lhs_hint = false} : vector<25x128xf32>, vector<16x128xf32>, vector<25x16xf32> -> vector<25x16xf32>
    %swap3A_117 = arith.constant 0 : index
    %swap3A_118 = arith.constant 48 : index
    %swap3A_119 = vector.load %arg5[%swap3A_117, %swap3A_118] : memref<32x128xf32, #tpu.memory_space<vmem>>, vector<25x16xf32>
    tpu.vector_store %arg5[%swap3A_117, %swap3A_118], %dot_general3A_116 {strides = array<i32>} : memref<32x128xf32, #tpu.memory_space<vmem>>, vector<25x16xf32>,
    %get3A_120 = arith.constant 0 : index
    %get3A_121 = arith.constant 4 : index
    %get3A_122 = arith.constant 0 : index
    %get3A_123 = vector.load %arg0[%get3A_120, %get3A_121, %get3A_122] : memref<25x8x128xf32, #tpu.memory_space<vmem>>, vector<25x1x128xf32>
    %get3A_124 = vector.shape_cast %get3A_123 : vector<25x1x128xf32> to vector<25x128xf32>
    %get3A_125 = arith.constant 0 : index
    %get3A_126 = arith.constant 0 : index
    %get3A_127 = vector.load %arg2[%get3A_125, %get3A_126] : memref<16x256xf32, #tpu.memory_space<vmem>>, vector<16x128xf32>
    %dot_general3A_128 = arith.constant dense<0.000000e+00> : vector<25x16xf32>
    %dot_general3A_129 = tpu.matmul %get3A_124, %get3A_127, %dot_general3A_128 {dimension_numbers = #tpu.dot_dimension_numbers<[1], [1], [0], [0], [0, 0, 1, 0], [], []>, precision = #tpu.contract_precision<fp32>, transpose_lhs_hint = false} : vector<25x128xf32>, vector<16x128xf32>, vector<25x16xf32> -> vector<25x16xf32>
    %get3A_130 = arith.constant 0 : index
    %get3A_131 = arith.constant 0 : index
    %get3A_132 = vector.load %arg3[%get3A_130, %get3A_131] : memref<1x16xf32, #tpu.memory_space<vmem>>, vector<1x16xf32>
    %add3A_133 = vector.broadcast %get3A_132 : vector<1x16xf32> to vector<25x16xf32>
    %add3A_134 = arith.addf %dot_general3A_129, %add3A_133 : vector<25x16xf32>
    %swap3A_135 = arith.constant 0 : index
    %swap3A_136 = arith.constant 64 : index
    %swap3A_137 = vector.load %arg4[%swap3A_135, %swap3A_136] : memref<32x128xf32, #tpu.memory_space<vmem>>, vector<25x16xf32>
    tpu.vector_store %arg4[%swap3A_135, %swap3A_136], %add3A_134 {strides = array<i32>} : memref<32x128xf32, #tpu.memory_space<vmem>>, vector<25x16xf32>,
    %get3A_138 = arith.constant 0 : index
    %get3A_139 = arith.constant 4 : index
    %get3A_140 = arith.constant 0 : index
    %get3A_141 = vector.load %arg1[%get3A_138, %get3A_139, %get3A_140] : memref<25x8x128xf32, #tpu.memory_space<vmem>>, vector<25x1x128xf32>
    %get3A_142 = vector.shape_cast %get3A_141 : vector<25x1x128xf32> to vector<25x128xf32>
    %get3A_143 = arith.constant 0 : index
    %get3A_144 = arith.constant 128 : index
    %get3A_145 = vector.load %arg2[%get3A_143, %get3A_144] : memref<16x256xf32, #tpu.memory_space<vmem>>, vector<16x128xf32>
    %dot_general3A_146 = arith.constant dense<0.000000e+00> : vector<25x16xf32>
    %dot_general3A_147 = tpu.matmul %get3A_142, %get3A_145, %dot_general3A_146 {dimension_numbers = #tpu.dot_dimension_numbers<[1], [1], [0], [0], [0, 0, 1, 0], [], []>, precision = #tpu.contract_precision<fp32>, transpose_lhs_hint = false} : vector<25x128xf32>, vector<16x128xf32>, vector<25x16xf32> -> vector<25x16xf32>
    %swap3A_148 = arith.constant 0 : index
    %swap3A_149 = arith.constant 64 : index
    %swap3A_150 = vector.load %arg5[%swap3A_148, %swap3A_149] : memref<32x128xf32, #tpu.memory_space<vmem>>, vector<25x16xf32>
    tpu.vector_store %arg5[%swap3A_148, %swap3A_149], %dot_general3A_147 {strides = array<i32>} : memref<32x128xf32, #tpu.memory_space<vmem>>, vector<25x16xf32>,
    %get3A_151 = arith.constant 0 : index
    %get3A_152 = arith.constant 5 : index
    %get3A_153 = arith.constant 0 : index
    %get3A_154 = vector.load %arg0[%get3A_151, %get3A_152, %get3A_153] : memref<25x8x128xf32, #tpu.memory_space<vmem>>, vector<25x1x128xf32>
    %get3A_155 = vector.shape_cast %get3A_154 : vector<25x1x128xf32> to vector<25x128xf32>
    %get3A_156 = arith.constant 0 : index
    %get3A_157 = arith.constant 0 : index
    %get3A_158 = vector.load %arg2[%get3A_156, %get3A_157] : memref<16x256xf32, #tpu.memory_space<vmem>>, vector<16x128xf32>
    %dot_general3A_159 = arith.constant dense<0.000000e+00> : vector<25x16xf32>
    %dot_general3A_160 = tpu.matmul %get3A_155, %get3A_158, %dot_general3A_159 {dimension_numbers = #tpu.dot_dimension_numbers<[1], [1], [0], [0], [0, 0, 1, 0], [], []>, precision = #tpu.contract_precision<fp32>, transpose_lhs_hint = false} : vector<25x128xf32>, vector<16x128xf32>, vector<25x16xf32> -> vector<25x16xf32>
    %get3A_161 = arith.constant 0 : index
    %get3A_162 = arith.constant 0 : index
    %get3A_163 = vector.load %arg3[%get3A_161, %get3A_162] : memref<1x16xf32, #tpu.memory_space<vmem>>, vector<1x16xf32>
    %add3A_164 = vector.broadcast %get3A_163 : vector<1x16xf32> to vector<25x16xf32>
    %add3A_165 = arith.addf %dot_general3A_160, %add3A_164 : vector<25x16xf32>
    %swap3A_166 = arith.constant 0 : index
    %swap3A_167 = arith.constant 80 : index
    %swap3A_168 = vector.load %arg4[%swap3A_166, %swap3A_167] : memref<32x128xf32, #tpu.memory_space<vmem>>, vector<25x16xf32>
    tpu.vector_store %arg4[%swap3A_166, %swap3A_167], %add3A_165 {strides = array<i32>} : memref<32x128xf32, #tpu.memory_space<vmem>>, vector<25x16xf32>,
    %get3A_169 = arith.constant 0 : index
    %get3A_170 = arith.constant 5 : index
    %get3A_171 = arith.constant 0 : index
    %get3A_172 = vector.load %arg1[%get3A_169, %get3A_170, %get3A_171] : memref<25x8x128xf32, #tpu.memory_space<vmem>>, vector<25x1x128xf32>
    %get3A_173 = vector.shape_cast %get3A_172 : vector<25x1x128xf32> to vector<25x128xf32>
    %get3A_174 = arith.constant 0 : index
    %get3A_175 = arith.constant 128 : index
    %get3A_176 = vector.load %arg2[%get3A_174, %get3A_175] : memref<16x256xf32, #tpu.memory_space<vmem>>, vector<16x128xf32>
    %dot_general3A_177 = arith.constant dense<0.000000e+00> : vector<25x16xf32>
    %dot_general3A_178 = tpu.matmul %get3A_173, %get3A_176, %dot_general3A_177 {dimension_numbers = #tpu.dot_dimension_numbers<[1], [1], [0], [0], [0, 0, 1, 0], [], []>, precision = #tpu.contract_precision<fp32>, transpose_lhs_hint = false} : vector<25x128xf32>, vector<16x128xf32>, vector<25x16xf32> -> vector<25x16xf32>
    %swap3A_179 = arith.constant 0 : index
    %swap3A_180 = arith.constant 80 : index
    %swap3A_181 = vector.load %arg5[%swap3A_179, %swap3A_180] : memref<32x128xf32, #tpu.memory_space<vmem>>, vector<25x16xf32>
    tpu.vector_store %arg5[%swap3A_179, %swap3A_180], %dot_general3A_178 {strides = array<i32>} : memref<32x128xf32, #tpu.memory_space<vmem>>, vector<25x16xf32>,
    %get3A_182 = arith.constant 0 : index
    %get3A_183 = arith.constant 6 : index
    %get3A_184 = arith.constant 0 : index
    %get3A_185 = vector.load %arg0[%get3A_182, %get3A_183, %get3A_184] : memref<25x8x128xf32, #tpu.memory_space<vmem>>, vector<25x1x128xf32>
    %get3A_186 = vector.shape_cast %get3A_185 : vector<25x1x128xf32> to vector<25x128xf32>
    %get3A_187 = arith.constant 0 : index
    %get3A_188 = arith.constant 0 : index
    %get3A_189 = vector.load %arg2[%get3A_187, %get3A_188] : memref<16x256xf32, #tpu.memory_space<vmem>>, vector<16x128xf32>
    %dot_general3A_190 = arith.constant dense<0.000000e+00> : vector<25x16xf32>
    %dot_general3A_191 = tpu.matmul %get3A_186, %get3A_189, %dot_general3A_190 {dimension_numbers = #tpu.dot_dimension_numbers<[1], [1], [0], [0], [0, 0, 1, 0], [], []>, precision = #tpu.contract_precision<fp32>, transpose_lhs_hint = false} : vector<25x128xf32>, vector<16x128xf32>, vector<25x16xf32> -> vector<25x16xf32>
    %get3A_192 = arith.constant 0 : index
    %get3A_193 = arith.constant 0 : index
    %get3A_194 = vector.load %arg3[%get3A_192, %get3A_193] : memref<1x16xf32, #tpu.memory_space<vmem>>, vector<1x16xf32>
    %add3A_195 = vector.broadcast %get3A_194 : vector<1x16xf32> to vector<25x16xf32>
    %add3A_196 = arith.addf %dot_general3A_191, %add3A_195 : vector<25x16xf32>
    %swap3A_197 = arith.constant 0 : index
    %swap3A_198 = arith.constant 96 : index
    %swap3A_199 = vector.load %arg4[%swap3A_197, %swap3A_198] : memref<32x128xf32, #tpu.memory_space<vmem>>, vector<25x16xf32>
    tpu.vector_store %arg4[%swap3A_197, %swap3A_198], %add3A_196 {strides = array<i32>} : memref<32x128xf32, #tpu.memory_space<vmem>>, vector<25x16xf32>,
    %get3A_200 = arith.constant 0 : index
    %get3A_201 = arith.constant 6 : index
    %get3A_202 = arith.constant 0 : index
    %get3A_203 = vector.load %arg1[%get3A_200, %get3A_201, %get3A_202] : memref<25x8x128xf32, #tpu.memory_space<vmem>>, vector<25x1x128xf32>
    %get3A_204 = vector.shape_cast %get3A_203 : vector<25x1x128xf32> to vector<25x128xf32>
    %get3A_205 = arith.constant 0 : index
    %get3A_206 = arith.constant 128 : index
    %get3A_207 = vector.load %arg2[%get3A_205, %get3A_206] : memref<16x256xf32, #tpu.memory_space<vmem>>, vector<16x128xf32>
    %dot_general3A_208 = arith.constant dense<0.000000e+00> : vector<25x16xf32>
    %dot_general3A_209 = tpu.matmul %get3A_204, %get3A_207, %dot_general3A_208 {dimension_numbers = #tpu.dot_dimension_numbers<[1], [1], [0], [0], [0, 0, 1, 0], [], []>, precision = #tpu.contract_precision<fp32>, transpose_lhs_hint = false} : vector<25x128xf32>, vector<16x128xf32>, vector<25x16xf32> -> vector<25x16xf32>
    %swap3A_210 = arith.constant 0 : index
    %swap3A_211 = arith.constant 96 : index
    %swap3A_212 = vector.load %arg5[%swap3A_210, %swap3A_211] : memref<32x128xf32, #tpu.memory_space<vmem>>, vector<25x16xf32>
    tpu.vector_store %arg5[%swap3A_210, %swap3A_211], %dot_general3A_209 {strides = array<i32>} : memref<32x128xf32, #tpu.memory_space<vmem>>, vector<25x16xf32>,
    %get3A_213 = arith.constant 0 : index
    %get3A_214 = arith.constant 7 : index
    %get3A_215 = arith.constant 0 : index
    %get3A_216 = vector.load %arg0[%get3A_213, %get3A_214, %get3A_215] : memref<25x8x128xf32, #tpu.memory_space<vmem>>, vector<25x1x128xf32>
    %get3A_217 = vector.shape_cast %get3A_216 : vector<25x1x128xf32> to vector<25x128xf32>
    %get3A_218 = arith.constant 0 : index
    %get3A_219 = arith.constant 0 : index
    %get3A_220 = vector.load %arg2[%get3A_218, %get3A_219] : memref<16x256xf32, #tpu.memory_space<vmem>>, vector<16x128xf32>
    %dot_general3A_221 = arith.constant dense<0.000000e+00> : vector<25x16xf32>
    %dot_general3A_222 = tpu.matmul %get3A_217, %get3A_220, %dot_general3A_221 {dimension_numbers = #tpu.dot_dimension_numbers<[1], [1], [0], [0], [0, 0, 1, 0], [], []>, precision = #tpu.contract_precision<fp32>, transpose_lhs_hint = false} : vector<25x128xf32>, vector<16x128xf32>, vector<25x16xf32> -> vector<25x16xf32>
    %get3A_223 = arith.constant 0 : index
    %get3A_224 = arith.constant 0 : index
    %get3A_225 = vector.load %arg3[%get3A_223, %get3A_224] : memref<1x16xf32, #tpu.memory_space<vmem>>, vector<1x16xf32>
    %add3A_226 = vector.broadcast %get3A_225 : vector<1x16xf32> to vector<25x16xf32>
    %add3A_227 = arith.addf %dot_general3A_222, %add3A_226 : vector<25x16xf32>
    %swap3A_228 = arith.constant 0 : index
    %swap3A_229 = arith.constant 112 : index
    %swap3A_230 = vector.load %arg4[%swap3A_228, %swap3A_229] : memref<32x128xf32, #tpu.memory_space<vmem>>, vector<25x16xf32>
    tpu.vector_store %arg4[%swap3A_228, %swap3A_229], %add3A_227 {strides = array<i32>} : memref<32x128xf32, #tpu.memory_space<vmem>>, vector<25x16xf32>,
    %get3A_231 = arith.constant 0 : index
    %get3A_232 = arith.constant 7 : index
    %get3A_233 = arith.constant 0 : index
    %get3A_234 = vector.load %arg1[%get3A_231, %get3A_232, %get3A_233] : memref<25x8x128xf32, #tpu.memory_space<vmem>>, vector<25x1x128xf32>
    %get3A_235 = vector.shape_cast %get3A_234 : vector<25x1x128xf32> to vector<25x128xf32>
    %get3A_236 = arith.constant 0 : index
    %get3A_237 = arith.constant 128 : index
    %get3A_238 = vector.load %arg2[%get3A_236, %get3A_237] : memref<16x256xf32, #tpu.memory_space<vmem>>, vector<16x128xf32>
    %dot_general3A_239 = arith.constant dense<0.000000e+00> : vector<25x16xf32>
    %dot_general3A_240 = tpu.matmul %get3A_235, %get3A_238, %dot_general3A_239 {dimension_numbers = #tpu.dot_dimension_numbers<[1], [1], [0], [0], [0, 0, 1, 0], [], []>, precision = #tpu.contract_precision<fp32>, transpose_lhs_hint = false} : vector<25x128xf32>, vector<16x128xf32>, vector<25x16xf32> -> vector<25x16xf32>
    %swap3A_241 = arith.constant 0 : index
    %swap3A_242 = arith.constant 112 : index
    %swap3A_243 = vector.load %arg5[%swap3A_241, %swap3A_242] : memref<32x128xf32, #tpu.memory_space<vmem>>, vector<25x16xf32>
    tpu.vector_store %arg5[%swap3A_241, %swap3A_242], %dot_general3A_240 {strides = array<i32>} : memref<32x128xf32, #tpu.memory_space<vmem>>, vector<25x16xf32>,
    return
  }
}

</mosaic_0001>

<sc_bundles>
// kernel: kernel.4.cloned.1.call-start
scs
__scs_entry_jumppad:
0x0: {  	(pc) =	sbr.rel $0x88, $3  }
0x1: {  	(tag) =	ssettag $0x0;
	lr =	simm.s32 $0x1  }
0x2: {  	[smem:$0x3F9C] =	sst lr;
	_ =	strace $0xD0000000  }
0x3: {  	_ = 	snop  }
0x4: {  	_ = 	snop  }
0x5: {  	_ = 	snop  }
0x6: {  	_ = 	snop  }
0x7: {  	_ = 	snop  }
__scs_overlays_trampoline_lowered:
0x8: {  	[smem:$0x3FAB] =	sst s0  }
0x9: {  	[smem:$0x3FAC] =	sst s1  }
0xa: {  	[smem:$0x3FAD] =	sst s2  }
0xb: {  	[smem:$0x3FAE] =	sst s3  }
0xc: {  	[smem:$0x3FAF] =	sst s4  }
0xd: {  	[smem:$0x3FB0] =	sst s5  }
0xe: {  	[smem:$0x3FB1] =	sst s6  }
0xf: {  	[smem:$0x3FB2] =	sst s7  }
0x10: {  	[smem:$0x3FB3] =	sst s8  }
0x11: {  	[smem:$0x3FB4] =	sst s9;
	s0 =	simm.s32 @!p0 $0x0  }
0x12: {  	s1 =	sld [smem:$0x3F9A];
	s0 =	simm.s32 @p0 $0x1  }
0x13: {  	[smem:$0x3FB5] =	sst s0;
	s0 =	simm.s32 @!p1 $0x0  }
0x14: {  	s2 =	sld [smem:$0x3F99];
	s0 =	simm.s32 @p1 $0x1  }
0x15: {  	[smem:$0x3FB6] =	sst s0;
	s0 =	simm.s32 @!p2 $0x0  }
0x16: {  	s3 =	sld [smem:$0x3FDB];
	s0 =	simm.s32 @p2 $0x1  }
0x17: {  	s4 =	simm.s32 $0x1BF5;
	[smem:$0x3FB8] =	sst s0  }
0x18: {  	s0 =	sld [smem:$0x3F9B];
	_ =	swait.ge [sflag:s4], $0x0  }
0x19: {  	s7 =	sld [smem:$0x3F9C]  }
0x1a: {  	s8 =	sadd.s32 $0xFFFFE003, lr  }
0x1b: {  	s9 =	sadd.s32 $0xFFFFFEF7, lr;
	s5 =	simm.s32 $0xFFFFFFFF;
	p2 =	slt.u32 s8, $0xFFFFF086  }
0x1c: {  	p1 =	slt.u32 s9, $0xF7A;
	s5 =	simm.s32 @!p2 $0x0  }
0x1d: {  	s5 =	simm.s32 @p1 $0x1;
	p0 =	seq.s32 s7, s2  }
0x1e: {  	s7 =	smul.u32 @!p0 $0xF7A, s2;
	p2 =	seq.s32 @!p0 s5, $0x0  }
0x1f: {  	s9 =	smul.u32 $0xF7A, s1;
	s8 =	simm.s32 @!p0 $0x1BF5;
	p2 =	por !p2, p0  }
0x20: {  	[sflag:s8] =	ssyncset.s32 @!p0 $0xFFFFF086;
	s6 =	sadd.s32 @!p0 s3, s7;
	s7 =	simm.s32 @!p0 $0x108  }
0x21: {  	s3 =	sadd.s32 s3, s9;
	s6 =	sadd.s32 @!p0 $0x88, s6;
	s7 =	simm.s32 @p2 $0x1082  }
0x22: {  	[simem:s7], [sflag:s8] =	dma.local @!p0 [hbm:s6], $0xF7A  }
0x23: {  	s9 =	sor.u32 $0xD0000000, s2;
	s6 =	simm.s32 $0x108;
	_ =	swait.ge @!p0 [sflag:s8], $0x0  }
0x24: {  	s3 =	sadd.s32 $0x88, s3;
	s6 =	simm.s32 @!p1 $0x1082;
	[sflag:s4] =	ssyncset.s32 $0xFFFFF086  }
0x25: {  	[simem:s6], [sflag:s4] =	dma.local [hbm:s3], $0xF7A  }
0x26: {  	[smem:$0x3F9C] =	sst s1;
	(tag) =	ssettag s2;
	_ =	strace s9  }
0x27: {  	s1 =	sld [smem:$0x3FAC]  }
0x28: {  	s2 =	sld [smem:$0x3FAD]  }
0x29: {  	s4 =	sld [smem:$0x3FAF]  }
0x2a: {  	p0 =	seq.s32 s5, $0x0;
	s5 =	sld [smem:$0x3FB0]  }
0x2b: {  	s6 =	sld [smem:$0x3FB1]  }
0x2c: {  	s7 =	sld [smem:$0x3FB2]  }
0x2d: {  	s3 =	simm.s32 $0x108;
	s8 =	sld [smem:$0x3FB3]  }
0x2e: {  	s3 =	simm.s32 @!p0 $0x1082;
	s9 =	sld [smem:$0x3FB4]  }
0x2f: {  	lr =	sadd.s32 s0, s3;
	s0 =	sld [smem:$0x3FAB]  }
0x30: {  	s3 =	sld [smem:$0x3FAE]  }
0x31: {  	[smem:$0x3FB7] =	sst s10  }
0x32: {  	s10 =	sld [smem:$0x3FB5];
	_ =	sdelay $0x3  }
0x33: {  	p0 =	seq.s32 s10, $0x1;
	s10 =	sld [smem:$0x3FB7];
	_ =	sdelay $0x3  }
0x34: {  	[smem:$0x3FB7] =	sst s10  }
0x35: {  	s10 =	sld [smem:$0x3FB6];
	_ =	sdelay $0x3  }
0x36: {  	p1 =	seq.s32 s10, $0x1;
	s10 =	sld [smem:$0x3FB7];
	_ =	sdelay $0x3  }
0x37: {  	[smem:$0x3FB7] =	sst s10  }
0x38: {  	s10 =	sld [smem:$0x3FB8]  }
0x39: {  	_ = 	snop;
	(pc) =	sbr.ind lr, $3  }
0x3a: {  	_ = 	snop  }
0x3b: {  	_ = 	snop  }
0x3c: {  	p2 =	seq.s32 s10, $0x1;
	s10 =	sld [smem:$0x3FB7]  }
0x3d: {  	_ =	shalt  }
0x3e: {  	_ =	shalt  }
0x3f: {  	_ =	shalt  }
0x40: {  	_ =	shalt  }
0x41: {  	_ =	shalt  }
0x42: {  	_ =	shalt  }
0x43: {  	_ =	shalt  }
0x44: {  	_ =	shalt  }
0x45: {  	_ =	shalt  }
0x46: {  	_ =	shalt  }
0x47: {  	_ =	shalt  }
0x48: {  	_ =	shalt  }
0x49: {  	_ =	shalt  }
0x4a: {  	_ =	shalt  }
0x4b: {  	_ =	shalt  }
0x4c: {  	_ =	shalt  }
0x4d: {  	_ =	shalt  }
0x4e: {  	_ =	shalt  }
0x4f: {  	_ =	shalt  }
0x50: {  	_ =	shalt  }
0x51: {  	_ =	shalt  }
0x52: {  	_ =	shalt  }
0x53: {  	_ =	shalt  }
0x54: {  	_ =	shalt  }
0x55: {  	_ =	shalt  }
0x56: {  	_ =	shalt  }
0x57: {  	_ =	shalt  }
0x58: {  	_ =	shalt  }
0x59: {  	_ =	shalt  }
0x5a: {  	_ =	shalt  }
0x5b: {  	_ =	shalt  }
0x5c: {  	_ =	shalt  }
0x5d: {  	_ =	shalt  }
0x5e: {  	_ =	shalt  }
0x5f: {  	_ =	shalt  }
0x60: {  	_ =	shalt  }
0x61: {  	_ =	shalt  }
0x62: {  	_ =	shalt  }
0x63: {  	_ =	shalt  }
0x64: {  	_ =	shalt  }
0x65: {  	_ =	shalt  }
0x66: {  	_ =	shalt  }
0x67: {  	_ =	shalt  }
0x68: {  	_ =	shalt  }
0x69: {  	_ =	shalt  }
0x6a: {  	_ =	shalt  }
0x6b: {  	_ =	shalt  }
0x6c: {  	_ =	shalt  }
0x6d: {  	_ =	shalt  }
0x6e: {  	_ =	shalt  }
0x6f: {  	_ =	shalt  }
0x70: {  	_ =	shalt  }
0x71: {  	_ =	shalt  }
0x72: {  	_ =	shalt  }
0x73: {  	_ =	shalt  }
0x74: {  	_ =	shalt  }
0x75: {  	_ =	shalt  }
0x76: {  	_ =	shalt  }
0x77: {  	_ =	shalt  }
0x78: {  	_ =	shalt  }
0x79: {  	_ =	shalt  }
0x7a: {  	_ =	shalt  }
0x7b: {  	_ =	shalt  }
0x7c: {  	_ =	shalt  }
0x7d: {  	_ =	shalt  }
0x7e: {  	_ =	shalt  }
0x7f: {  	_ =	shalt  }
0x80: {  	_ =	shalt  }
0x81: {  	_ =	shalt  }
0x82: {  	_ =	shalt  }
0x83: {  	_ =	shalt  }
0x84: {  	_ =	shalt  }
0x85: {  	_ =	shalt  }
0x86: {  	_ =	shalt  }
0x87: {  	_ =	shalt  }
.Lfunc_end0:
.L_simem_size_0:
called_computation_lowered:
.L_overlay_start_0:
0x88: {  	s2 =	sld [smem:$0x3FD9]  }
0x89: {  	s3 =	sld [smem:$0x3FFE];
	_ =	sdelay $0x1  }
0x8a: {  	s1 =	srdreg.scid  }
0x8b: {  	s0 =	sand.u32 $0x1, s1  }
0x8c: {  	s17 =	sshll.u32 s0, $0xA;
	s2 =	sadd.s32 s3, s2  }
0x8d: {  	s2 =	sadd.s32 s2, s17  }
0x8e: {  	[smem:$0x3FC3] =	sst s2  }
0x8f: {  	_ = 	snop  }
0x90: {  	s2 =	sld [smem:$0x3FC9]  }
0x91: {  	s18 =	sld [smem:$0x3FD0];
	(tm) =	ssettm $0x1  }
0x92: {  	s4 =	sld [smem:$0x3FFB];
	_ =	sdelay $0x3  }
0x93: {  	_ =	strace s4  }
0x94: {  	s4 =	sld [smem:$0x3FFC];
	_ =	sdelay $0x3  }
0x95: {  	_ =	strace s4  }
0x96: {  	s4 =	sld [smem:$0x3FFD];
	_ =	sdelay $0x3  }
0x97: {  	_ =	strace s4  }
0x98: {  	_ =	strace $0x8FFFFFFF  }
0x99: {  	s19 =	sld [smem:$0x3FDB];
	_ =	sdelay $0x1  }
0x9a: {  	s5 =	simm.s32 $_scs_section_size  }
0x9b: {  	s6 =	simm.s32 $_size__tile_overlayer_lowered;
	s7 =	simm.s32 $_tile_overlayer_lowered  }
0x9c: {  	s22 =	simm.s32 $0x1BFF;
	s21 =	sshll.u32 s7, $0x1;
	s4 =	sadd.s32 s5, s19  }
0x9d: {  	s8 =	simm.s32 $0x0;
	s20 =	sshll.u32 s6, $0x1;
	s6 =	sadd.s32 s21, s4  }
0x9e: {  	[timem:s8], [sflag:s22] =	dma.local [hbm:s6], s20  }
0x9f: {  	_ =	swait.ge [sflag:s22], s20  }
0xa0: {  	s5 =	ssub.s32 $0x0, s20;
	[sflag:s22] =	ssyncset.done $0x0  }
0xa1: {  	[sflag:s22] =	ssyncadd.s32 s5;
	_ =	sdelay $0x1  }
0xa2: {  	s23 =	simm.s32 $0x1B8B  }
0xa3: {  	_ =	swait.ge [sflag:s23], $0x1  }
0xa4: {  	[sflag:s23] =	ssyncset.done $0x0  }
0xa5: {  	s25 =	simm.s32 $0x1B8E;
	s24 =	sld [smem:$0x3FFE];
	[sflag:s23] =	ssyncadd.s32 $0xFFFFFFFF  }
0xa6: {  	s26 =	simm.s32 $execute0_lowered;
	[smem:$0x3FD2] =	sst s25  }
0xa7: {  	s6 =	sshll.u32 s26, $0x1;
	_ =	strace $0x80000046;
	[dreg:$0x1] =	wrdreg $0xFFFFFFFF  }
0xa8: {  	s28 =	simm.s32 $_size_execute0_lowered;
	s4 =	sadd.s32 s4, s6;
	[dreg:$0x0] =	wrdreg $0x0  }
0xa9: {  	s6 =	sshll.u32 s28, $0x1;
	[dreg:$0x2] =	wrdreg s4  }
0xaa: {  	[dreg:$0x3] =	wrdreg s6  }
0xab: {  	[dreg:$0x4] =	wrdreg $0xC0  }
0xac: {  	_ =	task [dreg:s8], $0x5FFFF  }
0xad: {  	[dreg:$0x1] =	wrdreg $0xFFFFFFFF  }
0xae: {  	[dreg:$0x0] =	wrdreg $0x60  }
0xaf: {  	[dreg:$0x2] =	wrdreg s2  }
0xb0: {  	[dreg:$0x3] =	wrdreg s24  }
0xb1: {  	[dreg:$0x4] =	wrdreg s18  }
0xb2: {  	[dreg:$0x5] =	wrdreg $0x9  }
0xb3: {  	_ =	task.clear_ibuf [dreg:s8], $0x6FFFF;
	_ =	strace $0x90000046  }
0xb4: {  	s29 =	simm.s32 $0x9;
	_ =	strace $0x80000048  }
0xb5: {  	_ =	swait.ge [sflag:s29], $0x1  }
0xb6: {  	[sflag:s29] =	ssyncadd.s32 $0xFFFFFFFF  }
0xb7: {  	_ =	strace $0x90000048  }
0xb8: {  	_ =	sfence  }
0xb9: {  	s30 =	sld [smem:$0x0];
	_ =	sdelay $0x2  }
0xba: {  	s31 =	sshll.u32 s1, $0xD;
	s1 =	sshrl.u32 s1, $0x2  }
0xbb: {  	s3 =	sand.u32 $0x4000, s31;
	s1 =	sadd.s32 s1, s30  }
0xbc: {  	s0 =	sor.u32 s3, s0;
	s1 =	sshll.u32 s1, $0x11  }
0xbd: {  	s0 =	sor.u32 s1, s0  }
0xbe: {  	s0 =	sadd.s32 $0x8F2B, s0  }
0xbf: {  	[sflag:s0] =	ssyncadd.remote.s32 $0x1  }
0xc0: {  	_ =	sfence.sel $0xFFFF  }
0xc1: {  	[dreg:$0x0] =	wrdreg $0xFFFFFFFF;
	(pc) =	sbr.abs _section_cstart, $3  }
0xc2: {  	[dreg:$0x1] =	wrdreg $0xFFFFFFFF  }
0xc3: {  	_ =	task.clear_ibuf [dreg:s8], $0x2FFFF;
	_ =	strace $0x9FFFFFFF  }
0xc4: {  	(tm) =	ssettm $0x7FFFFFFF  }
0xc5: {  	_ =	shalt  }
tec
execute0_lowered:
.L_overlay_start_1:
0x0: {  	(tag) =	ssettag $0x1  }
0x1: {  	s0 =	rddreg [dreg:$0x0]  }
0x2: {  	s1 =	rddreg [dreg:$0x1]  }
0x3: {  	s5 =	rddreg [dreg:$0x2];
	s12 =	simm.s32 $0x0  }
0x4: {  	s3 =	srdreg.scid;
	s2 =	stileid.u32;
	s9 =	simm.s32 $0x2  }
0x5: {  	s10 =	simm.s32 $0x80;
	s6 =	sand.u32 $0x1, s3;
	s4 =	sshll.u32 s2, $0x1  }
0x6: {  	[smem:$0x7FF] =	sst s12;
	s3 =	sadd.s32 $0x1200, s1;
	s7 =	sor.u32 s6, s4  }
0x7: {  	_ =	strace $0x80000047;
	s26 =	sshll.u32 s7, $0x9;
	s7 =	sshll.u32 s7, $0x7  }
0x8: {  	s4 =	sadd.s32 $0x1400, s1;
	s25 =	ssub.s32 $0x2, s6;
	s0 =	sadd.s32 s0, s7  }
0x9: {  	s8 =	sshrl.u32 s25, $0x1;
	s28 =	sadd.s32 s5, s26;
	[dreg:$0x5] =	wrdreg s0  }
0xa: {  	s1 =	ssub.s32 s25, s8;
	[dreg:$0x4] =	wrdreg s28;
	s30 =	sadd.s32 $0x4000, s28  }
0xb: {  	s11 =	simm.s32 $0x400;
	v0 =	vlaneseq.u32;
	s31 =	smax.u32 s1, $0x1;
	[dreg:$0x6] =	wrdreg s30  }
0xc: {  	s29 =	simm.s32 $0x0;
	v0 =	vmul.u32 $0x10, v0;
	s25 =	simm.s32 $0x1;
	[dreg:$0x7] =	wrdreg s31  }
.LBB2_1:
0xd: {  	s0 =	rddreg [dreg:$0x5]  }
0xe: {  	[tilespmem:s12], [sflag:$0x2] =	stream.linear.gather [hbm4b:s0+s12], $0x400, $0x38;
	[tilespmem:$0x6400] =	vst v63  }
0xf: {  	_ =	swait.ge [sflag:s9], $0x400  }
0x10: {  	[sflag:s9] =	ssyncset.done $0x0  }
0x11: {  	[sflag:s9] =	ssyncadd.s32 $0xFFFFFC00  }
0x12: {  	[tilespmem:s11], [sflag:$0x1] =	stream.indirect.gather [hbm4b:s3+s10], $0x10, s12, s10, $0xb8;
	[tilespmem:$0x6400] =	vst v63  }
0x13: {  	s17 =	simm.s32 $0x2400  }
0x14: {  	[tilespmem:s17], [sflag:$0x1] =	stream.indirect.gather [hbm4b:s4+s10], $0x10, s10, s10, $0xb8;
	[tilespmem:$0x6400] =	vst v63  }
0x15: {  	s18 =	simm.s32 $0x100;
	s1 =	simm.s32 $0xC00  }
0x16: {  	[tilespmem:s1], [sflag:$0x1] =	stream.indirect.gather [hbm4b:s3+s10], $0x10, s18, s10, $0xb8;
	[tilespmem:$0x6400] =	vst v63  }
0x17: {  	s19 =	simm.s32 $0x180;
	s20 =	simm.s32 $0x2C00  }
0x18: {  	[tilespmem:s20], [sflag:$0x1] =	stream.indirect.gather [hbm4b:s4+s10], $0x10, s19, s10, $0xb8;
	[tilespmem:$0x6400] =	vst v63  }
0x19: {  	s21 =	simm.s32 $0x200;
	s22 =	simm.s32 $0x1400  }
0x1a: {  	[tilespmem:s22], [sflag:$0x1] =	stream.indirect.gather [hbm4b:s3+s10], $0x10, s21, s10, $0xb8;
	[tilespmem:$0x6400] =	vst v63  }
0x1b: {  	s23 =	simm.s32 $0x280;
	s24 =	simm.s32 $0x3400  }
0x1c: {  	[tilespmem:s24], [sflag:$0x1] =	stream.indirect.gather [hbm4b:s4+s10], $0x10, s23, s10, $0xb8;
	[tilespmem:$0x6400] =	vst v63  }
0x1d: {  	s26 =	simm.s32 $0x300;
	s28 =	simm.s32 $0x1C00  }
0x1e: {  	[tilespmem:s28], [sflag:$0x1] =	stream.indirect.gather [hbm4b:s3+s10], $0x10, s26, s10, $0xb8;
	[tilespmem:$0x6400] =	vst v63  }
0x1f: {  	s30 =	simm.s32 $0x380;
	s31 =	simm.s32 $0x3C00  }
0x20: {  	[tilespmem:s31], [sflag:$0x1] =	stream.indirect.gather [hbm4b:s4+s10], $0x10, s30, s10, $0xb8;
	[tilespmem:$0x6400] =	vst v63  }
0x21: {  	_ =	swait.ge [sflag:s25], $0x800  }
0x22: {  	[sflag:s25] =	ssyncset.done $0x0  }
0x23: {  	[sflag:s25] =	ssyncadd.s32 $0xFFFFF800  }
0x24: {  	_ =	swait.ge [sflag:s25], $0x800  }
0x25: {  	[sflag:s25] =	ssyncset.done $0x0  }
0x26: {  	[sflag:s25] =	ssyncadd.s32 $0xFFFFF800  }
0x27: {  	_ =	swait.ge [sflag:s25], $0x800  }
0x28: {  	[sflag:s25] =	ssyncset.done $0x0  }
0x29: {  	[sflag:s25] =	ssyncadd.s32 $0xFFFFF800  }
0x2a: {  	_ =	swait.ge [sflag:s25], $0x800  }
0x2b: {  	[sflag:s25] =	ssyncset.done $0x0  }
0x2c: {  	[sflag:s25] =	ssyncadd.s32 $0xFFFFF800  }
0x2d: {  	_ =	swait.ge [sflag:s25], $0x800  }
0x2e: {  	[sflag:s25] =	ssyncset.done $0x0  }
0x2f: {  	[sflag:s25] =	ssyncadd.s32 $0xFFFFF800  }
0x30: {  	_ =	swait.ge [sflag:s25], $0x800  }
0x31: {  	[sflag:s25] =	ssyncset.done $0x0  }
0x32: {  	[sflag:s25] =	ssyncadd.s32 $0xFFFFF800  }
0x33: {  	_ =	swait.ge [sflag:s25], $0x800  }
0x34: {  	[sflag:s25] =	ssyncset.done $0x0  }
0x35: {  	[sflag:s25] =	ssyncadd.s32 $0xFFFFF800  }
0x36: {  	_ =	swait.ge [sflag:s25], $0x800  }
0x37: {  	[sflag:s25] =	ssyncset.done $0x0  }
0x38: {  	s0 =	simm.s32 $0x440;
	[sflag:s25] =	ssyncadd.s32 $0xFFFFF800  }
0x39: {  	s6 =	simm.s32 $0x2440;
	v2 =	vld [tilespmem:s0+$0x30]  }
0x3a: {  	v3 =	vld [tilespmem:s6+$0x30]  }
0x3b: {  	v1 =	vld [tilespmem:s6+$0xFFFFFFC0]  }
0x3c: {  	v4 =	vld [tilespmem:s0+$0xFFFFFFD0]  }
0x3d: {  	v5 =	vld [tilespmem:s6+$0xFFFFFFD0]  }
0x3e: {  	v6 =	vld [tilespmem:s0+$0xFFFFFFE0]  }
0x3f: {  	v7 =	vld [tilespmem:s6+$0xFFFFFFE0]  }
0x40: {  	v8 =	vld [tilespmem:s0+$0xFFFFFFF0]  }
0x41: {  	v9 =	vld [tilespmem:s6+$0xFFFFFFF0]  }
0x42: {  	v10 =	vld [tilespmem:s0+$0x0]  }
0x43: {  	v11 =	vld [tilespmem:s6+$0x0];
	v3 =	vadd.f32 v3, v2  }
0x44: {  	v5 =	vadd.f32 v5, v4;
	v2 =	vld [tilespmem:s0+$0x10]  }
0x45: {  	v6 =	vadd.f32 v7, v6;
	v4 =	vld [tilespmem:s6+$0x10];
	[tilespmem:s0+$0x30] =	vst v3  }
0x46: {  	v8 =	vadd.f32 v9, v8;
	[tilespmem:s0+$0xFFFFFFD0] =	vst v5;
	v3 =	vld [tilespmem:s0+$0x20]  }
0x47: {  	[tilespmem:s0+$0xFFFFFFE0] =	vst v6;
	v5 =	vld [tilespmem:s6+$0x20]  }
0x48: {  	s7 =	simm.s32 $0x0;
	s8 =	simm.s32 $0x4C0;
	s1 =	simm.s32 $0x10;
	v7 =	vld [tilespmem:s0+$0xFFFFFFC0];
	[tilespmem:s0+$0xFFFFFFF0] =	vst v8;
	v8 =	vadd.f32 v11, v10  }
.LBB2_2:
0x49: {  	v6 =	vld [tilespmem:s8+$0x30];
	s6 =	sadd.s32 $0x80, s6  }
0x4a: {  	s7 =	sadd.s32 $0x8, s7;
	v9 =	vld [tilespmem:s6+$0x30];
	[tilespmem:s0+$0x0] =	vst v8;
	v2 =	vadd.f32 v4, v2  }
0x4b: {  	p0 =	slt.u32 s7, $0x1F8;
	v4 =	vld [tilespmem:s6+$0xFFFFFFC0]  }
0x4c: {  	v8 =	vld [tilespmem:s8+$0xFFFFFFD0];
	[tilespmem:s0+$0x10] =	vst v2;
	v2 =	vadd.f32 v5, v3  }
0x4d: {  	v3 =	vld [tilespmem:s6+$0xFFFFFFD0];
	v10 =	vadd.f32 v1, v7  }
0x4e: {  	v5 =	vld [tilespmem:s8+$0xFFFFFFE0];
	[tilespmem:s0+$0x20] =	vst v2  }
0x4f: {  	v2 =	vld [tilespmem:s6+$0xFFFFFFE0];
	v6 =	vadd.f32 v9, v6;
	[tilespmem:s0+$0xFFFFFFC0] =	vst v10;
	s0 =	smov.u32 s8  }
0x50: {  	v7 =	vld [tilespmem:s8+$0xFFFFFFF0];
	v1 =	vmov v4  }
0x51: {  	v9 =	vld [tilespmem:s6+$0xFFFFFFF0];
	[tilespmem:s8+$0x30] =	vst v6  }
0x52: {  	v3 =	vadd.f32 v3, v8;
	v6 =	vld [tilespmem:s8+$0x0]  }
0x53: {  	v8 =	vld [tilespmem:s6+$0x0]  }
.Ltmp0:
0x54: {  	[tilespmem:s8+$0xFFFFFFD0] =	vst v3;
	v3 =	vadd.f32 v2, v5;
	v2 =	vld [tilespmem:s8+$0x10];
	(pc) =	sbr.rel @p0 .LBB2_2-.Ltmp0, $4  }
0x55: {  	v4 =	vld [tilespmem:s6+$0x10]  }
0x56: {  	[tilespmem:s8+$0xFFFFFFE0] =	vst v3;
	v9 =	vadd.f32 v9, v7;
	v3 =	vld [tilespmem:s8+$0x20]  }
0x57: {  	v5 =	vld [tilespmem:s6+$0x20]  }
0x58: {  	s8 =	sadd.s32 $0x80, s8;
	v7 =	vld [tilespmem:s0+$0xFFFFFFC0];
	[tilespmem:s0+$0xFFFFFFF0] =	vst v9;
	v8 =	vadd.f32 v8, v6  }
0x59: {  	s6 =	simm.s32 $0x0  }
0x5a: {  	v6 =	vmov s6  }
0x5b: {  	v6 =	vshll.u32 v6, $0x4  }
0x5c: {  	v2 =	vadd.f32 v4, v2;
	v6 =	vor.u32 v0, v6  }
0x5d: {  	[tilespmem:s0+$0x0] =	vst v8;
	v3 =	vadd.f32 v5, v3  }
0x5e: {  	[tilespmem:s0+$0x10] =	vst v2;
	v1 =	vadd.f32 v1, v7  }
0x5f: {  	v2 =	vmov s1;
	[tilespmem:s0+$0x20] =	vst v3  }
0x60: {  	[tilespmem:s0+$0xFFFFFFC0] =	vst v1;
	v1 =	vshll.u32 v2, $0x4  }
0x61: {  	v4 =	vor.u32 v0, v1;
	v1 =	vld.idx.msk [tilespmem:v6+s11+$0x0], $0xffff  }
0x62: {  	s8 =	simm.s32 $0x0;
	v2 =	vor.u32 $0x1, v6  }
0x63: {  	s21 =	sand.u32 $0xC00, s8  }
0x64: {  	s20 =	sand.u32 $0x60, s6;
	s0 =	sadd.s32 $0x4400, s21  }
0x65: {  	s6 =	sor.u32 s20, s0  }
0x66: {  	v3 =	vld.idx.msk [tilespmem:v4+s11+$0x0], $0xffff;
	[tilespmem:s6+$0x0] =	vst v1  }
0x67: {  	v1 =	vor.u32 $0x1, v4;
	v2 =	vld.idx.msk [tilespmem:v2+s11+$0x0], $0xffff  }
0x68: {  	v5 =	vor.u32 $0x2, v6  }
0x69: {  	s19 =	sand.u32 $0x70, s1  }
0x6a: {  	s1 =	sor.u32 s19, s0  }
0x6b: {  	[tilespmem:s1+$0x0] =	vst v3  }
0x6c: {  	v1 =	vld.idx.msk [tilespmem:v1+s11+$0x0], $0xffff;
	[tilespmem:s6+$0x80] =	vst v2  }
0x6d: {  	v2 =	vor.u32 $0x2, v4;
	v3 =	vld.idx.msk [tilespmem:v5+s11+$0x0], $0xffff  }
0x6e: {  	v5 =	vor.u32 $0x3, v6;
	_ =	sdelay $0x2  }
0x6f: {  	[tilespmem:s1+$0x80] =	vst v1  }
0x70: {  	v1 =	vld.idx.msk [tilespmem:v2+s11+$0x0], $0xffff;
	[tilespmem:s6+$0x100] =	vst v3  }
0x71: {  	v2 =	vor.u32 $0x3, v4;
	v3 =	vld.idx.msk [tilespmem:v5+s11+$0x0], $0xffff  }
0x72: {  	s12 =	simm.s32 $0x20;
	v7 =	vor.u32 $0x4, v6  }
0x73: {  	s7 =	simm.s32 $0x30;
	v5 =	vmov s12  }
0x74: {  	v8 =	vmov s7;
	v5 =	vshll.u32 v5, $0x4  }
0x75: {  	v8 =	vshll.u32 v8, $0x4;
	[tilespmem:s1+$0x100] =	vst v1;
	v1 =	vor.u32 v0, v5  }
0x76: {  	v5 =	vor.u32 v0, v8;
	v2 =	vld.idx.msk [tilespmem:v2+s11+$0x0], $0xffff;
	[tilespmem:s6+$0x180] =	vst v3  }
0x77: {  	v3 =	vor.u32 $0x4, v4;
	v7 =	vld.idx.msk [tilespmem:v7+s11+$0x0], $0xffff  }
0x78: {  	v8 =	vor.u32 $0x5, v6;
	_ =	sdelay $0x1  }
0x79: {  	v9 =	vld.idx.msk [tilespmem:v1+s11+$0x0], $0xffff  }
0x7a: {  	s8 =	simm.s32 $0x100;
	v10 =	vor.u32 $0x1, v1;
	[tilespmem:s1+$0x180] =	vst v2;
	v2 =	vld.idx.msk [tilespmem:v5+s11+$0x0], $0xffff  }
0x7b: {  	s31 =	sand.u32 $0xC00, s8;
	v11 =	vor.u32 $0x1, v5;
	v3 =	vld.idx.msk [tilespmem:v3+s11+$0x0], $0xffff;
	[tilespmem:s6+$0x200] =	vst v7  }
0x7c: {  	s8 =	sadd.s32 $0x4400, s31;
	s0 =	sand.u32 $0x60, s12;
	v7 =	vor.u32 $0x5, v4;
	v8 =	vld.idx.msk [tilespmem:v8+s11+$0x0], $0xffff  }
0x7d: {  	s30 =	sand.u32 $0x70, s7;
	v12 =	vor.u32 $0x6, v6;
	s15 =	sor.u32 s0, s8  }
0x7e: {  	s14 =	sor.u32 s30, s8;
	[tilespmem:s15+$0x0] =	vst v9  }
0x7f: {  	v9 =	vld.idx.msk [tilespmem:v10+s11+$0x0], $0xffff;
	[tilespmem:s14+$0x0] =	vst v2  }
0x80: {  	[tilespmem:s1+$0x200] =	vst v3;
	v2 =	vld.idx.msk [tilespmem:v11+s11+$0x0], $0xffff;
	v3 =	vor.u32 $0x2, v1  }
0x81: {  	v10 =	vor.u32 $0x2, v5;
	v7 =	vld.idx.msk [tilespmem:v7+s11+$0x0], $0xffff;
	[tilespmem:s6+$0x280] =	vst v8  }
0x82: {  	v8 =	vor.u32 $0x6, v4;
	v11 =	vld.idx.msk [tilespmem:v12+s11+$0x0], $0xffff  }
0x83: {  	v12 =	vor.u32 $0x7, v6  }
0x84: {  	[tilespmem:s15+$0x80] =	vst v9  }
0x85: {  	v3 =	vld.idx.msk [tilespmem:v3+s11+$0x0], $0xffff;
	[tilespmem:s14+$0x80] =	vst v2  }
0x86: {  	[tilespmem:s1+$0x280] =	vst v7;
	v2 =	vld.idx.msk [tilespmem:v10+s11+$0x0], $0xffff;
	v7 =	vor.u32 $0x3, v1  }
0x87: {  	v9 =	vor.u32 $0x3, v5;
	v8 =	vld.idx.msk [tilespmem:v8+s11+$0x0], $0xffff;
	[tilespmem:s6+$0x300] =	vst v11  }
0x88: {  	v10 =	vor.u32 $0x7, v4;
	v11 =	vld.idx.msk [tilespmem:v12+s11+$0x0], $0xffff  }
0x89: {  	v12 =	vor.u32 $0x8, v6  }
0x8a: {  	[tilespmem:s15+$0x100] =	vst v3  }
0x8b: {  	v3 =	vld.idx.msk [tilespmem:v7+s11+$0x0], $0xffff;
	[tilespmem:s14+$0x100] =	vst v2  }
0x8c: {  	[tilespmem:s1+$0x300] =	vst v8;
	v8 =	vld.idx.msk [tilespmem:v9+s11+$0x0], $0xffff;
	v9 =	vor.u32 $0x4, v1  }
0x8d: {  	s13 =	simm.s32 $0x40;
	v13 =	vor.u32 $0x4, v5;
	v10 =	vld.idx.msk [tilespmem:v10+s11+$0x0], $0xffff;
	[tilespmem:s6+$0x380] =	vst v11  }
0x8e: {  	s17 =	simm.s32 $0x50;
	v2 =	vmov s13;
	v11 =	vor.u32 $0x8, v4;
	v12 =	vld.idx.msk [tilespmem:v12+s11+$0x0], $0xffff  }
0x8f: {  	v14 =	vor.u32 $0x9, v6;
	v7 =	vmov s17;
	v2 =	vshll.u32 v2, $0x4  }
0x90: {  	v7 =	vshll.u32 v7, $0x4;
	v2 =	vor.u32 v0, v2;
	[tilespmem:s15+$0x180] =	vst v3  }
0x91: {  	s18 =	sadd.s32 $0x5400, s21;
	v7 =	vor.u32 v0, v7;
	v3 =	vld.idx.msk [tilespmem:v9+s11+$0x0], $0xffff;
	[tilespmem:s14+$0x180] =	vst v8  }
0x92: {  	s22 =	sor.u32 s20, s18;
	v9 =	vor.u32 $0x5, v1;
	[tilespmem:s1+$0x380] =	vst v10;
	v8 =	vld.idx.msk [tilespmem:v13+s11+$0x0], $0xffff  }
0x93: {  	v10 =	vor.u32 $0x5, v5;
	v11 =	vld.idx.msk [tilespmem:v11+s11+$0x0], $0xffff;
	[tilespmem:s22+$0x0] =	vst v12  }
0x94: {  	v12 =	vor.u32 $0x9, v4;
	v13 =	vld.idx.msk [tilespmem:v14+s11+$0x0], $0xffff  }
0x95: {  	v15 =	vor.u32 $0xA, v6;
	v14 =	vld.idx.msk [tilespmem:v2+s11+$0x0], $0xffff  }
0x96: {  	s23 =	simm.s32 $0x200;
	v17 =	vor.u32 $0x1, v2;
	v16 =	vld.idx.msk [tilespmem:v7+s11+$0x0], $0xffff;
	[tilespmem:s15+$0x200] =	vst v3  }
0x97: {  	s16 =	sadd.s32 $0x5480, s21;
	s8 =	sor.u32 s19, s18;
	s1 =	sand.u32 $0xC00, s23;
	v3 =	vor.u32 $0x1, v7;
	v9 =	vld.idx.msk [tilespmem:v9+s11+$0x0], $0xffff;
	[tilespmem:s14+$0x200] =	vst v8  }
0x98: {  	s28 =	sor.u32 s20, s16;
	s12 =	sand.u32 $0x60, s13;
	s24 =	sadd.s32 $0x4400, s1;
	[tilespmem:s8+$0x0] =	vst v11;
	v8 =	vld.idx.msk [tilespmem:v10+s11+$0x0], $0xffff;
	v10 =	vor.u32 $0x6, v1  }
0x99: {  	s13 =	sand.u32 $0x70, s17;
	s26 =	sor.u32 s12, s24;
	v11 =	vor.u32 $0x6, v5;
	v12 =	vld.idx.msk [tilespmem:v12+s11+$0x0], $0xffff;
	[tilespmem:s28+$0x0] =	vst v13  }
0x9a: {  	s17 =	sor.u32 s13, s24;
	v13 =	vor.u32 $0xA, v4;
	[tilespmem:s26+$0x0] =	vst v14;
	v14 =	vld.idx.msk [tilespmem:v15+s11+$0x0], $0xffff  }
0x9b: {  	[tilespmem:s17+$0x0] =	vst v16;
	v16 =	vor.u32 $0xB, v6;
	v15 =	vld.idx.msk [tilespmem:v17+s11+$0x0], $0xffff  }
0x9c: {  	v3 =	vld.idx.msk [tilespmem:v3+s11+$0x0], $0xffff;
	v17 =	vor.u32 $0x2, v2;
	[tilespmem:s15+$0x280] =	vst v9  }
0x9d: {  	s5 =	sadd.s32 $0x5500, s21;
	s2 =	sor.u32 s19, s16;
	v9 =	vor.u32 $0x2, v7;
	v10 =	vld.idx.msk [tilespmem:v10+s11+$0x0], $0xffff;
	[tilespmem:s14+$0x280] =	vst v8  }
0x9e: {  	s16 =	sor.u32 s20, s5;
	v8 =	vld.idx.msk [tilespmem:v11+s11+$0x0], $0xffff;
	[tilespmem:s2+$0x0] =	vst v12;
	v11 =	vor.u32 $0x7, v1  }
0x9f: {  	v12 =	vor.u32 $0x7, v5;
	v13 =	vld.idx.msk [tilespmem:v13+s11+$0x0], $0xffff;
	[tilespmem:s16+$0x0] =	vst v14  }
0xa0: {  	v14 =	vor.u32 $0xB, v4;
	[tilespmem:s26+$0x80] =	vst v15;
	v15 =	vld.idx.msk [tilespmem:v16+s11+$0x0], $0xffff  }
0xa1: {  	[tilespmem:s17+$0x80] =	vst v3;
	v3 =	vor.u32 $0xC, v6;
	v16 =	vld.idx.msk [tilespmem:v17+s11+$0x0], $0xffff  }
0xa2: {  	v9 =	vld.idx.msk [tilespmem:v9+s11+$0x0], $0xffff;
	v17 =	vor.u32 $0x3, v2;
	[tilespmem:s15+$0x300] =	vst v10  }
0xa3: {  	s18 =	sor.u32 s19, s5;
	s22 =	sadd.s32 $0x5580, s21;
	v10 =	vor.u32 $0x3, v7;
	v11 =	vld.idx.msk [tilespmem:v11+s11+$0x0], $0xffff;
	[tilespmem:s14+$0x300] =	vst v8  }
0xa4: {  	s23 =	sor.u32 s20, s22;
	v8 =	vld.idx.msk [tilespmem:v12+s11+$0x0], $0xffff;
	[tilespmem:s18+$0x0] =	vst v13;
	v12 =	vor.u32 $0x8, v1  }
0xa5: {  	v13 =	vor.u32 $0x8, v5;
	v14 =	vld.idx.msk [tilespmem:v14+s11+$0x0], $0xffff;
	[tilespmem:s23+$0x0] =	vst v15  }
0xa6: {  	v15 =	vor.u32 $0xC, v4;
	[tilespmem:s26+$0x100] =	vst v16;
	v3 =	vld.idx.msk [tilespmem:v3+s11+$0x0], $0xffff  }
0xa7: {  	[tilespmem:s17+$0x100] =	vst v9;
	v9 =	vor.u32 $0xD, v6;
	v16 =	vld.idx.msk [tilespmem:v17+s11+$0x0], $0xffff  }
0xa8: {  	s7 =	simm.s32 $0x70;
	v10 =	vld.idx.msk [tilespmem:v10+s11+$0x0], $0xffff;
	v17 =	vor.u32 $0x4, v2;
	[tilespmem:s15+$0x380] =	vst v11  }
0xa9: {  	v18 =	vmov s7;
	s24 =	sor.u32 s19, s22;
	s8 =	simm.s32 $0x60;
	s28 =	sadd.s32 $0x5600, s21;
	v11 =	vor.u32 $0x4, v7;
	v12 =	vld.idx.msk [tilespmem:v12+s11+$0x0], $0xffff;
	[tilespmem:s14+$0x380] =	vst v8  }
0xaa: {  	v18 =	vshll.u32 v18, $0x4;
	s2 =	sor.u32 s20, s28;
	v8 =	vmov s8;
	v13 =	vld.idx.msk [tilespmem:v13+s11+$0x0], $0xffff;
	[tilespmem:s24+$0x0] =	vst v14;
	v14 =	vor.u32 $0x9, v1  }
0xab: {  	v29 =	vor.u32 v0, v18;
	v8 =	vshll.u32 v8, $0x4;
	v15 =	vld.idx.msk [tilespmem:v15+s11+$0x0], $0xffff;
	[tilespmem:s2+$0x0] =	vst v3  }
0xac: {  	s5 =	sadd.s32 $0x5400, s31;
	v3 =	vor.u32 v0, v8;
	[tilespmem:s26+$0x180] =	vst v16;
	v8 =	vld.idx.msk [tilespmem:v9+s11+$0x0], $0xffff  }
0xad: {  	s16 =	sor.u32 s0, s5;
	[tilespmem:s17+$0x180] =	vst v10;
	v10 =	vor.u32 $0xE, v6;
	v9 =	vld.idx.msk [tilespmem:v17+s11+$0x0], $0xffff  }
0xae: {  	s18 =	sor.u32 s30, s5;
	v16 =	vor.u32 $0x5, v2;
	v11 =	vld.idx.msk [tilespmem:v11+s11+$0x0], $0xffff;
	[tilespmem:s16+$0x0] =	vst v12  }
0xaf: {  	s6 =	sadd.s32 $0x5680, s21;
	s14 =	sor.u32 s19, s28;
	v12 =	vor.u32 $0x5, v7;
	v14 =	vld.idx.msk [tilespmem:v14+s11+$0x0], $0xffff;
	[tilespmem:s18+$0x0] =	vst v13  }
0xb0: {  	v18 =	vld.idx.msk [tilespmem:v29+s11+$0x0], $0xffff;
	s22 =	sor.u32 s20, s6;
	v17 =	vor.u32 $0x9, v5;
	[tilespmem:s14+$0x0] =	vst v15  }
0xb1: {  	v19 =	vor.u32 $0xA, v1;
	s23 =	simm.s32 $0x300;
	v13 =	vld.idx.msk [tilespmem:v3+s11+$0x0], $0xffff;
	[tilespmem:s22+$0x0] =	vst v8  }
0xb2: {  	s16 =	sand.u32 $0xC00, s23;
	s23 =	sadd.s32 $0x5480, s31;
	v8 =	vor.u32 $0x1, v3;
	[tilespmem:s26+$0x200] =	vst v9;
	v9 =	vld.idx.msk [tilespmem:v10+s11+$0x0], $0xffff  }
0xb3: {  	s15 =	sand.u32 $0x70, s7;
	s24 =	sadd.s32 $0x4400, s16;
	[tilespmem:s17+$0x200] =	vst v11;
	s22 =	sor.u32 s0, s23;
	v10 =	vor.u32 $0x1, v29;
	v16 =	vld.idx.msk [tilespmem:v16+s11+$0x0], $0xffff  }
0xb4: {  	v6 =	vor.u32 $0xF, v6;
	s14 =	sand.u32 $0x60, s8;
	v11 =	vld.idx.msk [tilespmem:v12+s11+$0x0], $0xffff;
	[tilespmem:s22+$0x0] =	vst v14;
	s22 =	sor.u32 s15, s24  }
0xb5: {  	s7 =	sadd.s32 $0x5700, s21;
	s18 =	sor.u32 s14, s24;
	v12 =	vor.u32 $0x6, v2;
	v14 =	vld.idx.msk [tilespmem:v17+s11+$0x0], $0xffff;
	[tilespmem:s22+$0x0] =	vst v18  }
0xb6: {  	s28 =	sor.u32 s20, s7;
	v15 =	vor.u32 $0x6, v7;
	[tilespmem:s18+$0x0] =	vst v13;
	v13 =	vld.idx.msk [tilespmem:v19+s11+$0x0], $0xffff  }
0xb7: {  	v17 =	vor.u32 $0xA, v5;
	v8 =	vld.idx.msk [tilespmem:v8+s11+$0x0], $0xffff;
	[tilespmem:s28+$0x0] =	vst v9  }
0xb8: {  	v18 =	vld.idx.msk [tilespmem:v10+s11+$0x0], $0xffff;
	v10 =	vor.u32 $0xB, v1;
	[tilespmem:s26+$0x280] =	vst v16  }
0xb9: {  	s5 =	sadd.s32 $0x5500, s31;
	s2 =	sor.u32 s30, s23;
	[tilespmem:s17+$0x280] =	vst v11;
	v11 =	vor.u32 $0xD, v4;
	v16 =	vld.idx.msk [tilespmem:v6+s11+$0x0], $0xffff  }
0xba: {  	s24 =	sor.u32 s0, s5;
	v19 =	vor.u32 $0x2, v3;
	v12 =	vld.idx.msk [tilespmem:v12+s11+$0x0], $0xffff;
	[tilespmem:s2+$0x0] =	vst v14  }
0xbb: {  	v20 =	vor.u32 $0x2, v29;
	v36 =	vor.u32 $0x3, v29;
	v21 =	vld.idx.msk [tilespmem:v15+s11+$0x0], $0xffff;
	[tilespmem:s24+$0x0] =	vst v13  }
0xbc: {  	v27 =	vor.u32 $0x4, v29;
	v26 =	vor.u32 $0x5, v29;
	v14 =	vor.u32 $0x7, v2;
	v23 =	vld.idx.msk [tilespmem:v17+s11+$0x0], $0xffff;
	s24 =	sadd.s32 $0x5780, s21;
	[tilespmem:s18+$0x80] =	vst v8  }
0xbd: {  	v31 =	vor.u32 $0xE, v4;
	v24 =	vor.u32 $0xB, v5;
	v25 =	vor.u32 $0x7, v7;
	s20 =	sor.u32 s20, s24;
	v28 =	vld.idx.msk [tilespmem:v10+s11+$0x0], $0xffff;
	[tilespmem:s22+$0x80] =	vst v18  }
0xbe: {  	v22 =	vor.u32 $0x8, v7;
	v35 =	vor.u32 $0x3, v3;
	v9 =	vor.u32 $0xF, v4;
	v37 =	vld.idx.msk [tilespmem:v11+s11+$0x0], $0xffff;
	[tilespmem:s20+$0x0] =	vst v16  }
0xbf: {  	v4 =	vor.u32 $0xF, v5;
	v6 =	vor.u32 $0xE, v5;
	v19 =	vld.idx.msk [tilespmem:v19+s11+$0x0], $0xffff;
	v18 =	vor.u32 $0xC, v1;
	[tilespmem:s26+$0x300] =	vst v12  }
0xc0: {  	v15 =	vor.u32 $0xC, v7;
	s2 =	sor.u32 s30, s5;
	s5 =	sadd.s32 $0x5580, s31;
	v17 =	vor.u32 $0xA, v7;
	v13 =	vor.u32 $0xC, v5;
	v32 =	vld.idx.msk [tilespmem:v20+s11+$0x0], $0xffff;
	[tilespmem:s17+$0x300] =	vst v21  }
0xc1: {  	s28 =	sor.u32 s0, s5;
	v8 =	vor.u32 $0xE, v7;
	v10 =	vor.u32 $0xD, v5;
	v5 =	vor.u32 $0xF, v7;
	v39 =	vld.idx.msk [tilespmem:v14+s11+$0x0], $0xffff;
	[tilespmem:s2+$0x0] =	vst v23  }
0xc2: {  	s6 =	sor.u32 s19, s6;
	v11 =	vor.u32 $0xE, v29;
	v20 =	vor.u32 $0x9, v7;
	v16 =	vor.u32 $0xB, v7;
	v34 =	vld.idx.msk [tilespmem:v25+s11+$0x0], $0xffff;
	[tilespmem:s28+$0x0] =	vst v28  }
0xc3: {  	v12 =	vor.u32 $0xD, v7;
	v21 =	vor.u32 $0xA, v29;
	v33 =	vld.idx.msk [tilespmem:v24+s11+$0x0], $0xffff;
	[tilespmem:s6+$0x0] =	vst v37;
	v37 =	vor.u32 $0x8, v2  }
0xc4: {  	v7 =	vor.u32 $0xF, v29;
	v25 =	vor.u32 $0x6, v29;
	v23 =	vor.u32 $0x9, v29;
	[tilespmem:s18+$0x100] =	vst v19;
	v30 =	vld.idx.msk [tilespmem:v18+s11+$0x0], $0xffff  }
0xc5: {  	v14 =	vor.u32 $0xD, v29;
	v24 =	vor.u32 $0x7, v29;
	v28 =	vor.u32 $0x8, v29;
	v35 =	vld.idx.msk [tilespmem:v35+s11+$0x0], $0xffff  }
0xc6: {  	s23 =	simm.s32 $0xC00;
	s21 =	simm.s32 $0x6;
	s20 =	sor.u32 s19, s7;
	v19 =	vor.u32 $0xC, v29;
	v18 =	vor.u32 $0xB, v29;
	[tilespmem:s22+$0x100] =	vst v32;
	v29 =	vor.u32 $0xD, v1;
	v31 =	vld.idx.msk [tilespmem:v31+s11+$0x0], $0xffff  }
0xc7: {  	v38 =	vor.u32 $0x4, v3;
	s19 =	sor.u32 s19, s24;
	s24 =	simm.s32 $0x90;
	s6 =	sor.u32 s30, s5;
	v36 =	vld.idx.msk [tilespmem:v36+s11+$0x0], $0xffff;
	[tilespmem:s26+$0x380] =	vst v39  }
.LBB2_4:
0xc8: {  	s7 =	sadd.s32 $0xFFFFFFF0, s24;
	v32 =	vmov s24;
	s21 =	sadd.s32 $0x2, s21;
	v37 =	vld.idx.msk [tilespmem:v37+s11+$0x0], $0xffff;
	[tilespmem:s17+$0x380] =	vst v34;
	s8 =	sadd.s32 $0x5600, s31  }
0xc9: {  	s26 =	sand.u32 $0x70, s24;
	v34 =	vmov s7;
	v32 =	vshll.u32 v32, $0x4;
	p0 =	slt.u32 s21, $0x1E;
	v39 =	vld.idx.msk [tilespmem:v22+s11+$0x0], $0xffff;
	s17 =	sor.u32 s0, s8;
	[tilespmem:s6+$0x0] =	vst v33;
	v22 =	vmov v28  }
0xca: {  	s6 =	sor.u32 s30, s8;
	v28 =	vshll.u32 v34, $0x4;
	v33 =	vor.u32 v0, v32;
	v32 =	vor.u32 $0x9, v2;
	[tilespmem:s17+$0x0] =	vst v30;
	v34 =	vld.idx.msk [tilespmem:v13+s11+$0x0], $0xffff;
	v13 =	vmovc v15;
	s17 =	smov.u32 s22  }
0xcb: {  	v15 =	vmovc v19;
	v40 =	vor.u32 v0, v28;
	v41 =	vor.u32 $0x1, v33;
	v42 =	vor.u32 $0x2, v33;
	[tilespmem:s18+$0x180] =	vst v35;
	v35 =	vld.idx.msk [tilespmem:v29+s11+$0x0], $0xffff  }
0xcc: {  	s8 =	sadd.s32 $0x5400, s1;
	v29 =	vor.u32 $0x3, v33;
	v19 =	vor.u32 $0x4, v33;
	v43 =	vor.u32 $0x5, v33;
	v38 =	vld.idx.msk [tilespmem:v38+s11+$0x0], $0xffff;
	[tilespmem:s17+$0x180] =	vst v36  }
0xcd: {  	v45 =	vor.u32 $0xE, v1;
	s22 =	sor.u32 s12, s8;
	s8 =	sor.u32 s13, s8;
	v30 =	vor.u32 $0x7, v33;
	v36 =	vor.u32 $0x6, v33;
	v44 =	vld.idx.msk [tilespmem:v27+s11+$0x0], $0xffff;
	[tilespmem:s20+$0x0] =	vst v31;
	v27 =	vmovc v19  }
0xce: {  	v46 =	vor.u32 $0x5, v3;
	v28 =	vor.u32 $0x8, v33;
	v31 =	vor.u32 $0x9, v33;
	[tilespmem:s22+$0x0] =	vst v37;
	v37 =	vld.idx.msk [tilespmem:v9+s11+$0x0], $0xffff;
	v9 =	vmovc v4;
	v4 =	vmovc v5  }
0xcf: {  	v47 =	vor.u32 $0xA, v33;
	v48 =	vor.u32 $0xB, v33;
	v19 =	vor.u32 $0xC, v33;
	v5 =	vmovc v7;
	v49 =	vld.idx.msk [tilespmem:v32+s11+$0x0], $0xffff;
	[tilespmem:s8+$0x0] =	vst v39;
	s8 =	sadd.s32 $0x5680, s31  }
0xd0: {  	v50 =	vor.u32 $0xD, v33;
	v7 =	vor.u32 $0xF, v33;
	v32 =	vor.u32 $0xE, v33;
	v39 =	vld.idx.msk [tilespmem:v40+s11+$0x0], $0xffff;
	s20 =	sor.u32 s0, s8;
	[tilespmem:s6+$0x0] =	vst v34;
	s28 =	sor.u32 s30, s8  }
0xd1: {  	s23 =	sadd.s32 $0x400, s23;
	v34 =	vor.u32 $0xA, v2;
	v33 =	vld.idx.msk [tilespmem:v33+s11+$0x0], $0xffff;
	[tilespmem:s20+$0x0] =	vst v35  }
0xd2: {  	s6 =	sshrl.u32 s23, $0x2;
	v35 =	vor.u32 $0x1, v40;
	[tilespmem:s18+$0x200] =	vst v38;
	v38 =	vld.idx.msk [tilespmem:v45+s11+$0x0], $0xffff  }
0xd3: {  	s8 =	sand.u32 $0xC00, s6;
	s20 =	sadd.s32 $0x5480, s1;
	v45 =	vld.idx.msk [tilespmem:v46+s11+$0x0], $0xffff;
	[tilespmem:s17+$0x200] =	vst v44  }
0xd4: {  	s6 =	sand.u32 $0x60, s7;
	s22 =	sadd.s32 $0x4400, s8;
	s5 =	sor.u32 s12, s20;
	v46 =	vor.u32 $0xF, v1;
	v1 =	vmovc v2;
	v2 =	vmovc v3;
	v3 =	vmov v40;
	v44 =	vld.idx.msk [tilespmem:v26+s11+$0x0], $0xffff;
	[tilespmem:s19+$0x0] =	vst v37;
	v26 =	vmov v43  }
0xd5: {  	s7 =	sor.u32 s6, s22;
	s22 =	sor.u32 s26, s22;
	v37 =	vor.u32 $0x6, v2;
	[tilespmem:s5+$0x0] =	vst v49;
	v40 =	vld.idx.msk [tilespmem:v20+s11+$0x0], $0xffff;
	s5 =	sor.u32 s13, s20;
	v20 =	vmov v23;
	v23 =	vmov v31  }
0xd6: {  	s19 =	sadd.s32 $0x5700, s31;
	[tilespmem:s7+$0x0] =	vst v39;
	v31 =	vld.idx.msk [tilespmem:v34+s11+$0x0], $0xffff  }
0xd7: {  	s2 =	sor.u32 s0, s19;
	s20 =	sor.u32 s30, s19;
	v34 =	vld.idx.msk [tilespmem:v35+s11+$0x0], $0xffff;
	[tilespmem:s22+$0x0] =	vst v33  }
0xd8: {  	v35 =	vor.u32 $0xB, v1;
	v33 =	vld.idx.msk [tilespmem:v41+s11+$0x0], $0xffff;
	[tilespmem:s2+$0x0] =	vst v38  }
0xd9: {  	v38 =	vor.u32 $0x2, v3;
	[tilespmem:s18+$0x280] =	vst v45;
	v39 =	vld.idx.msk [tilespmem:v46+s11+$0x0], $0xffff  }
0xda: {  	s2 =	sadd.s32 $0x5500, s1;
	v37 =	vld.idx.msk [tilespmem:v37+s11+$0x0], $0xffff;
	[tilespmem:s17+$0x280] =	vst v44  }
0xdb: {  	s19 =	sor.u32 s12, s2;
	s2 =	sor.u32 s13, s2;
	v41 =	vld.idx.msk [tilespmem:v25+s11+$0x0], $0xffff;
	[tilespmem:s5+$0x0] =	vst v40;
	v25 =	vmov v36  }
0xdc: {  	v36 =	vor.u32 $0x7, v2;
	[tilespmem:s19+$0x0] =	vst v31;
	v31 =	vld.idx.msk [tilespmem:v17+s11+$0x0], $0xffff;
	v17 =	vmov v21;
	v21 =	vmov v47  }
0xdd: {  	s5 =	sadd.s32 $0x5780, s31;
	s31 =	smov.u32 s1;
	s1 =	smov.u32 s16;
	[tilespmem:s7+$0x80] =	vst v34;
	v35 =	vld.idx.msk [tilespmem:v35+s11+$0x0], $0xffff  }
0xde: {  	s0 =	sor.u32 s0, s5;
	s19 =	sor.u32 s30, s5;
	s30 =	smov.u32 s13;
	v38 =	vld.idx.msk [tilespmem:v38+s11+$0x0], $0xffff;
	[tilespmem:s22+$0x80] =	vst v33  }
0xdf: {  	s16 =	smov.u32 s8;
	s13 =	smov.u32 s15;
	s15 =	smov.u32 s26;
	v40 =	vld.idx.msk [tilespmem:v42+s11+$0x0], $0xffff;
	v42 =	vor.u32 $0xC, v1;
	[tilespmem:s0+$0x0] =	vst v39  }
0xe0: {  	v39 =	vor.u32 $0x3, v3;
	s0 =	smov.u32 s12;
	s12 =	smov.u32 s14;
	s14 =	smov.u32 s6;
	[tilespmem:s18+$0x300] =	vst v37;
	v43 =	vld.idx.msk [tilespmem:v10+s11+$0x0], $0xffff;
	v10 =	vmovc v12;
	v12 =	vmov v14;
	v14 =	vmov v50  }
0xe1: {  	s5 =	sadd.s32 $0x5580, s31;
	v44 =	vld.idx.msk [tilespmem:v36+s11+$0x0], $0xffff;
	[tilespmem:s17+$0x300] =	vst v41  }
0xe2: {  	s6 =	sor.u32 s30, s5;
	s8 =	sor.u32 s0, s5;
	v34 =	vld.idx.msk [tilespmem:v24+s11+$0x0], $0xffff;
	[tilespmem:s2+$0x0] =	vst v31;
	v24 =	vmov v30  }
.Ltmp1:
0xe3: {  	v37 =	vor.u32 $0x8, v2;
	[tilespmem:s8+$0x0] =	vst v35;
	v33 =	vld.idx.msk [tilespmem:v16+s11+$0x0], $0xffff;
	v16 =	vmov v18;
	v18 =	vmov v48;
	(pc) =	sbr.rel @p0 .LBB2_4-.Ltmp1, $4  }
0xe4: {  	[tilespmem:s7+$0x100] =	vst v38;
	v30 =	vld.idx.msk [tilespmem:v42+s11+$0x0], $0xffff  }
0xe5: {  	v35 =	vld.idx.msk [tilespmem:v39+s11+$0x0], $0xffff;
	[tilespmem:s22+$0x100] =	vst v40  }
0xe6: {  	v36 =	vld.idx.msk [tilespmem:v29+s11+$0x0], $0xffff;
	v29 =	vor.u32 $0xD, v1;
	[tilespmem:s28+$0x0] =	vst v43  }
0xe7: {  	s24 =	sadd.s32 $0x20, s24;
	v38 =	vor.u32 $0x4, v3;
	[tilespmem:s18+$0x380] =	vst v44;
	v31 =	vld.idx.msk [tilespmem:v6+s11+$0x0], $0xffff;
	v6 =	vmovc v8;
	v8 =	vmov v11;
	v11 =	vmov v32;
	s18 =	smov.u32 s7  }
0xe8: {  	_ =	sdelay $0x2  }
0xe9: {  	[tilespmem:s18+$0x180] =	vst v35  }
0xea: {  	v32 =	vld.idx.msk [tilespmem:v38+s11+$0x0], $0xffff;
	[tilespmem:s22+$0x180] =	vst v36  }
0xeb: {  	v41 =	vor.u32 $0x5, v3;
	v27 =	vld.idx.msk [tilespmem:v27+s11+$0x0], $0xffff;
	_ =	sdelay $0x3  }
0xec: {  	[tilespmem:s18+$0x200] =	vst v32  }
0xed: {  	v32 =	vld.idx.msk [tilespmem:v41+s11+$0x0], $0xffff;
	[tilespmem:s22+$0x200] =	vst v27  }
0xee: {  	v42 =	vor.u32 $0x6, v3;
	v26 =	vld.idx.msk [tilespmem:v26+s11+$0x0], $0xffff;
	_ =	sdelay $0x3  }
0xef: {  	[tilespmem:s18+$0x280] =	vst v32  }
0xf0: {  	v27 =	vld.idx.msk [tilespmem:v42+s11+$0x0], $0xffff;
	[tilespmem:s22+$0x280] =	vst v26  }
0xf1: {  	v43 =	vor.u32 $0x7, v3;
	v25 =	vld.idx.msk [tilespmem:v25+s11+$0x0], $0xffff;
	_ =	sdelay $0x3  }
0xf2: {  	[tilespmem:s18+$0x300] =	vst v27  }
0xf3: {  	v26 =	vld.idx.msk [tilespmem:v43+s11+$0x0], $0xffff;
	[tilespmem:s22+$0x300] =	vst v25  }
0xf4: {  	v44 =	vor.u32 $0x8, v3;
	v24 =	vld.idx.msk [tilespmem:v24+s11+$0x0], $0xffff;
	_ =	sdelay $0x2  }
0xf5: {  	v45 =	vld.idx.msk [tilespmem:v37+s11+$0x0], $0xffff;
	[tilespmem:s17+$0x380] =	vst v34  }
0xf6: {  	v46 =	vor.u32 $0x9, v2;
	v22 =	vld.idx.msk [tilespmem:v22+s11+$0x0], $0xffff;
	[tilespmem:s18+$0x380] =	vst v26  }
0xf7: {  	v25 =	vld.idx.msk [tilespmem:v44+s11+$0x0], $0xffff;
	[tilespmem:s22+$0x380] =	vst v24  }
0xf8: {  	s2 =	sadd.s32 $0x5400, s1;
	v47 =	vor.u32 $0x9, v3;
	v24 =	vld.idx.msk [tilespmem:v28+s11+$0x0], $0xffff  }
0xf9: {  	s5 =	sor.u32 s12, s2  }
0xfa: {  	s8 =	sadd.s32 $0x5400, s16;
	s2 =	sor.u32 s13, s2;
	[tilespmem:s5+$0x0] =	vst v45  }
0xfb: {  	s17 =	sor.u32 s14, s8;
	[tilespmem:s2+$0x0] =	vst v22;
	v27 =	vld.idx.msk [tilespmem:v46+s11+$0x0], $0xffff  }
0xfc: {  	v48 =	vor.u32 $0xA, v2;
	s5 =	sor.u32 s15, s8;
	v20 =	vld.idx.msk [tilespmem:v20+s11+$0x0], $0xffff;
	[tilespmem:s17+$0x0] =	vst v25  }
0xfd: {  	v25 =	vld.idx.msk [tilespmem:v47+s11+$0x0], $0xffff;
	[tilespmem:s5+$0x0] =	vst v24  }
0xfe: {  	v49 =	vor.u32 $0xA, v3;
	s18 =	sadd.s32 $0x5480, s1;
	v23 =	vld.idx.msk [tilespmem:v23+s11+$0x0], $0xffff  }
0xff: {  	s21 =	sor.u32 s12, s18  }
0x100: {  	s2 =	sor.u32 s13, s18;
	s22 =	sadd.s32 $0x5480, s16;
	[tilespmem:s21+$0x0] =	vst v27  }
0x101: {  	[tilespmem:s2+$0x0] =	vst v20;
	s23 =	sor.u32 s14, s22;
	v22 =	vld.idx.msk [tilespmem:v48+s11+$0x0], $0xffff  }
0x102: {  	v50 =	vor.u32 $0xB, v2;
	s24 =	sor.u32 s15, s22;
	v17 =	vld.idx.msk [tilespmem:v17+s11+$0x0], $0xffff;
	[tilespmem:s23+$0x0] =	vst v25  }
0x103: {  	v24 =	vld.idx.msk [tilespmem:v49+s11+$0x0], $0xffff;
	[tilespmem:s24+$0x0] =	vst v23  }
0x104: {  	s26 =	sadd.s32 $0x5500, s1;
	v51 =	vor.u32 $0xB, v3;
	[tilespmem:s6+$0x0] =	vst v33;
	v21 =	vld.idx.msk [tilespmem:v21+s11+$0x0], $0xffff  }
0x105: {  	s28 =	sor.u32 s12, s26;
	[tilespmem:s20+$0x0] =	vst v31  }
0x106: {  	s6 =	sadd.s32 $0x5500, s16;
	v9 =	vld.idx.msk [tilespmem:v9+s11+$0x0], $0xffff;
	s2 =	sor.u32 s13, s26;
	[tilespmem:s28+$0x0] =	vst v22  }
0x107: {  	s7 =	sor.u32 s14, s6;
	[tilespmem:s2+$0x0] =	vst v17;
	v20 =	vld.idx.msk [tilespmem:v50+s11+$0x0], $0xffff  }
0x108: {  	v52 =	vor.u32 $0xC, v2;
	s5 =	sor.u32 s15, s6;
	v16 =	vld.idx.msk [tilespmem:v16+s11+$0x0], $0xffff;
	[tilespmem:s7+$0x0] =	vst v24  }
0x109: {  	v53 =	vld.idx.msk [tilespmem:v51+s11+$0x0], $0xffff;
	[tilespmem:s5+$0x0] =	vst v21  }
0x10a: {  	v54 =	vor.u32 $0xC, v3;
	s18 =	sadd.s32 $0x5580, s1;
	v18 =	vld.idx.msk [tilespmem:v18+s11+$0x0], $0xffff  }
0x10b: {  	[tilespmem:s19+$0x0] =	vst v9;
	s20 =	sor.u32 s12, s18  }
0x10c: {  	v13 =	vld.idx.msk [tilespmem:v13+s11+$0x0], $0xffff;
	s21 =	sadd.s32 $0x5580, s16;
	s2 =	sor.u32 s13, s18;
	[tilespmem:s20+$0x0] =	vst v20  }
0x10d: {  	s22 =	sor.u32 s14, s21;
	[tilespmem:s2+$0x0] =	vst v16;
	v17 =	vld.idx.msk [tilespmem:v52+s11+$0x0], $0xffff  }
0x10e: {  	v56 =	vor.u32 $0xD, v2;
	s8 =	sadd.s32 $0x5600, s31;
	v15 =	vld.idx.msk [tilespmem:v15+s11+$0x0], $0xffff;
	s5 =	sor.u32 s15, s21;
	[tilespmem:s22+$0x0] =	vst v53  }
0x10f: {  	s17 =	sor.u32 s0, s8;
	v57 =	vld.idx.msk [tilespmem:v54+s11+$0x0], $0xffff;
	[tilespmem:s5+$0x0] =	vst v18  }
0x110: {  	v58 =	vor.u32 $0xD, v3;
	[tilespmem:s17+$0x0] =	vst v30;
	s28 =	sadd.s32 $0x5600, s1;
	s23 =	sor.u32 s30, s8;
	v18 =	vld.idx.msk [tilespmem:v19+s11+$0x0], $0xffff  }
0x111: {  	v55 =	vld.idx.msk [tilespmem:v29+s11+$0x0], $0xffff;
	[tilespmem:s23+$0x0] =	vst v13;
	s7 =	sor.u32 s12, s28  }
0x112: {  	v59 =	vor.u32 $0xE, v1;
	s8 =	sadd.s32 $0x5600, s16;
	v10 =	vld.idx.msk [tilespmem:v10+s11+$0x0], $0xffff;
	s2 =	sor.u32 s13, s28;
	[tilespmem:s7+$0x0] =	vst v17  }
0x113: {  	s17 =	sor.u32 s14, s8;
	[tilespmem:s2+$0x0] =	vst v15;
	v16 =	vld.idx.msk [tilespmem:v56+s11+$0x0], $0xffff  }
0x114: {  	v60 =	vor.u32 $0xE, v2;
	s24 =	sadd.s32 $0x5680, s31;
	s18 =	sor.u32 s15, s8;
	v12 =	vld.idx.msk [tilespmem:v12+s11+$0x0], $0xffff;
	[tilespmem:s17+$0x0] =	vst v57  }
0x115: {  	s26 =	sor.u32 s0, s24;
	v13 =	vld.idx.msk [tilespmem:v58+s11+$0x0], $0xffff;
	[tilespmem:s18+$0x0] =	vst v18  }
0x116: {  	v61 =	vor.u32 $0xE, v3;
	s20 =	sor.u32 s30, s24;
	[tilespmem:s26+$0x0] =	vst v55;
	s21 =	sadd.s32 $0x5680, s1;
	v14 =	vld.idx.msk [tilespmem:v14+s11+$0x0], $0xffff  }
0x117: {  	v62 =	vld.idx.msk [tilespmem:v59+s11+$0x0], $0xffff;
	[tilespmem:s20+$0x0] =	vst v10;
	s22 =	sor.u32 s12, s21  }
0x118: {  	v1 =	vor.u32 $0xF, v1;
	s23 =	sadd.s32 $0x5680, s16;
	v6 =	vld.idx.msk [tilespmem:v6+s11+$0x0], $0xffff;
	s5 =	sor.u32 s13, s21;
	[tilespmem:s22+$0x0] =	vst v16  }
0x119: {  	s24 =	sor.u32 s14, s23;
	[tilespmem:s5+$0x0] =	vst v12;
	v63 =	vld.idx.msk [tilespmem:v60+s11+$0x0], $0xffff  }
0x11a: {  	v2 =	vor.u32 $0xF, v2;
	s26 =	sadd.s32 $0x5700, s31;
	s2 =	sor.u32 s15, s23;
	v8 =	vld.idx.msk [tilespmem:v8+s11+$0x0], $0xffff;
	[tilespmem:s24+$0x0] =	vst v13  }
0x11b: {  	s28 =	sor.u32 s0, s26;
	v9 =	vld.idx.msk [tilespmem:v61+s11+$0x0], $0xffff;
	[tilespmem:s2+$0x0] =	vst v14  }
0x11c: {  	v3 =	vor.u32 $0xF, v3;
	s6 =	sor.u32 s30, s26;
	s7 =	sadd.s32 $0x5700, s1;
	[tilespmem:s28+$0x0] =	vst v62;
	v11 =	vld.idx.msk [tilespmem:v11+s11+$0x0], $0xffff  }
0x11d: {  	s8 =	sor.u32 s12, s7;
	v1 =	vld.idx.msk [tilespmem:v1+s11+$0x0], $0xffff;
	[tilespmem:s6+$0x0] =	vst v6  }
0x11e: {  	v4 =	vld.idx.msk [tilespmem:v4+s11+$0x0], $0xffff;
	s5 =	sor.u32 s13, s7;
	s17 =	sadd.s32 $0x5700, s16;
	[tilespmem:s8+$0x0] =	vst v63  }
0x11f: {  	s18 =	sor.u32 s14, s17;
	[tilespmem:s5+$0x0] =	vst v8;
	v2 =	vld.idx.msk [tilespmem:v2+s11+$0x0], $0xffff  }
0x120: {  	s19 =	sadd.s32 $0x5780, s31;
	v5 =	vld.idx.msk [tilespmem:v5+s11+$0x0], $0xffff;
	s2 =	sor.u32 s15, s17;
	[tilespmem:s18+$0x0] =	vst v9  }
0x121: {  	s20 =	sor.u32 s0, s19;
	v3 =	vld.idx.msk [tilespmem:v3+s11+$0x0], $0xffff;
	[tilespmem:s2+$0x0] =	vst v11  }
0x122: {  	s21 =	sor.u32 s30, s19;
	s22 =	sadd.s32 $0x5780, s1;
	[tilespmem:s20+$0x0] =	vst v1;
	v1 =	vld.idx.msk [tilespmem:v7+s11+$0x0], $0xffff  }
0x123: {  	s1 =	sor.u32 s12, s22;
	[tilespmem:s21+$0x0] =	vst v4  }
0x124: {  	s23 =	sadd.s32 $0x5780, s16;
	s0 =	sor.u32 s13, s22;
	[tilespmem:s1+$0x0] =	vst v2  }
0x125: {  	s24 =	sor.u32 s14, s23;
	[tilespmem:s0+$0x0] =	vst v5  }
0x126: {  	s1 =	sor.u32 s15, s23;
	[tilespmem:s24+$0x0] =	vst v3  }
0x127: {  	[tilespmem:s1+$0x0] =	vst v1  }
0x128: {  	s26 =	simm.s32 $0x4400;
	s12 =	simm.s32 $0x0;
	s0 =	rddreg [dreg:$0x4]  }
0x129: {  	[hbm4b:s0+s12] =	stream.linear.scatter [tilespmem:s26], [sflag:$0x2], $0x1000, $0x38;
	[tilespmem:$0x6400] =	vst v63  }
0x12a: {  	_ =	swait.ge [sflag:s9], $0x1000  }
0x12b: {  	[sflag:s9] =	ssyncset.done $0x0  }
0x12c: {  	s30 =	simm.s32 $0x5400;
	s28 =	rddreg [dreg:$0x6];
	[sflag:s9] =	ssyncadd.s32 $0xFFFFF000  }
0x12d: {  	[hbm4b:s28+s12] =	stream.linear.scatter [tilespmem:s30], [sflag:$0x2], $0x1000, $0x38;
	[tilespmem:$0x6400] =	vst v63  }
0x12e: {  	_ =	swait.ge [sflag:s9], $0x1000  }
0x12f: {  	s29 =	sadd.s32 $0x1, s29;
	s31 =	rddreg [dreg:$0x7]  }
0x130: {  	p0 =	sne.s32 s29, s31  }
.Ltmp2:
0x131: {  	_ = 	snop;
	(pc) =	sbr.rel @p0 .LBB2_1-.Ltmp2, $3  }
0x132: {  	_ =	sdelay $0x1  }
0x133: {  	[sflag:s9] =	ssyncset.done $0x0  }
0x134: {  	[sflag:s9] =	ssyncadd.s32 $0xFFFFF000  }
0x135: {  	_ =	sfence.sel $0x180000  }
0x136: {  	[bflag:$0x0] =	sbarrier.arrive $0xFFFF  }
0x137: {  	_ =	strace $0x90000047  }
0x138: {  	s0 =	stileid.u32;
	[bflag:$0x2] =	sbarrier.arrive $0xFFFF  }
0x139: {  	p0 =	sne.s32 s0, $0x0;
	s0 =	rddreg [dreg:$0x3]  }
0x13a: {  	s0 =	sadd.s32 @!p0 $0x100000, s0  }
0x13b: {  	[sflag:s0] =	ssyncadd.tile.s32 @!p0 $0x1;
	_ =	shalt  }
.Lfunc_end2:
_tile_overlayer_lowered:
.L_overlay_start_2:
0x13c: {  	(tag) =	ssettag $0x2  }
0x13d: {  	s0 =	rddreg [dreg:$0x0];
	s2 =	stileid.u32  }
0x13e: {  	s1 =	rddreg [dreg:$0x1];
	p0 =	sne.s32 s2, $0x0  }
0x13f: {  	s3 =	rddreg [dreg:$0x2];
	[bflag:$0x3] =	sbarrier.arrive $0xFFFF;
	s2 =	simm.s32 @!p0 $0x1C02  }
0x140: {  	[timem:s3], [sflag:s2] =	dma.local @!p0 [hbm:s0], s1  }
0x141: {  	s0 =	simm.s32 @!p0 $0x2  }
0x142: {  	_ =	swait.ge @!p0 [sflag:s0], s1  }
0x143: {  	s1 =	ssub.s32 @!p0 $0x0, s1;
	[sflag:s0] =	ssyncset.done @!p0 $0x0  }
0x144: {  	[sflag:s0] =	ssyncadd.s32 @!p0 s1  }
0x145: {  	[bflag:$0x3] =	sbarrier.arrive $0xFFFF  }
0x146: {  	_ =	shalt  }

</sc_bundles>
